<compile_context>
chip_gen: v7x
topology: tpu7x:2x2x1
jax: 0.10.2.dev20260603
libtpu: 0.0.44.dev20260713+nightly
codegen_flags: <defaults>
</compile_context>

<pallas_src>
import functools

import jax
import jax.numpy as jnp
from jax import lax
from jax.experimental import pallas as pl
from jax.experimental.pallas import tpu as pltpu
from jax.experimental.pallas import tpu_sc as plsc

_NC = 2
_NS = 16
_NW = _NC * _NS

_L_IDX = 128
_S_PER_CHUNK = 4
_CHUNK = _L_IDX * _S_PER_CHUNK


def _absmean_body(v_total, cblk, ngrid, w_ref, out_ref, acc_ref):
    i = pl.program_id(0)

    @pl.when(i == 0)
    def _():
        acc_ref[...] = jnp.zeros_like(acc_ref)

    x = jnp.abs(w_ref[...])
    col = i * cblk + jax.lax.broadcasted_iota(jnp.int32, x.shape, 1)
    x = jnp.where(col < v_total, x, 0.0)
    acc_ref[...] += jnp.sum(x.reshape(-1, 8, 128), axis=0)

    @pl.when(i == ngrid - 1)
    def _():
        out_ref[0, 0] = jnp.sum(acc_ref[...])


def _abs_sum(weight_t, cblk):
    d, v = weight_t.shape
    grid = (v + cblk - 1) // cblk
    out = pl.pallas_call(
        functools.partial(_absmean_body, v, cblk, grid),
        grid=(grid,),
        in_specs=[pl.BlockSpec((d, cblk), lambda i: (0, i))],
        out_specs=pl.BlockSpec((1, 1), lambda i: (0, 0),
                               memory_space=pltpu.SMEM),
        out_shape=jax.ShapeDtypeStruct((1, 1), jnp.float32),
        scratch_shapes=[pltpu.VMEM((8, 128), jnp.float32)],
    )(weight_t)
    return out


_TT_RB = 8064
_TT_NB = 31
_QROWS = _TT_RB * _TT_NB
_TT_H = _TT_RB * (_TT_NB + 1)


def _transtern_body(m_ref, x0, x1, x2, x3, xt, o_ref):
    i = pl.program_id(0)
    m = m_ref[0, 0]

    def tern(x):
        return jnp.where(jnp.abs(x) > m, jnp.sign(x), 0.0)

    @pl.when(i < _TT_NB)
    def _():
        r = jax.lax.broadcasted_iota(jnp.int32, (128, 128), 0)
        c = jax.lax.broadcasted_iota(jnp.int32, (128, 128), 1)
        eye = (r == c).astype(jnp.float32)
        x = jnp.concatenate(
            [tern(xr[...]) for xr in (x0, x1, x2, x3)], axis=0)
        o_ref[...] = jax.lax.dot_general(
            x, eye, (((0,), (0,)), ((), ())),
            preferred_element_type=jnp.float32)

    @pl.when(i == _TT_NB)
    def _():
        for a in range(4):
            o_ref[0:16, 32 * a:32 * a + 32] = tern(xt[16 * a:16 * a + 16, :])


def _transtern(weight_t, tail, mean2d):
    d, v = weight_t.shape
    in_specs = [pl.BlockSpec((1, 1), lambda i: (0, 0),
                             memory_space=pltpu.SMEM)] + [
        pl.BlockSpec((d, _TT_RB),
                     (lambda a: (lambda i: (0, a * _TT_NB + i)))(a))
        for a in range(4)
    ] + [pl.BlockSpec((64, 32), lambda i: (0, 0))]
    return pl.pallas_call(
        _transtern_body,
        grid=(_TT_NB + 1,),
        in_specs=in_specs,
        out_specs=pl.BlockSpec((_TT_RB, 128), lambda i: (i, 0)),
        out_shape=jax.ShapeDtypeStruct((_TT_H, 128), jnp.float32),
    )(mean2d, weight_t, weight_t, weight_t, weight_t, tail)


def _make_sc_gather(v, d, b, out_rows):
    assert b % (_NW * _CHUNK) == 0
    b_per_w = b // _NW
    n_chunk = b_per_w // _CHUNK
    n_stream = b_per_w // _L_IDX
    mesh = plsc.VectorSubcoreMesh(core_axis_name="c", subcore_axis_name="s")

    @functools.partial(
        pl.kernel,
        out_type=jax.ShapeDtypeStruct((out_rows, d), jnp.float32),
        mesh=mesh,
        compiler_params=pltpu.CompilerParams(use_tc_tiling_on_sc=False),
        scratch_types=[
            pltpu.VMEM((n_stream, _L_IDX), jnp.int32),
            pltpu.VMEM((n_stream, _L_IDX), jnp.int32),
            pltpu.VMEM((_CHUNK, d), jnp.float32),
            pltpu.VMEM((_CHUNK, d), jnp.float32),
            pltpu.SemaphoreType.DMA,
            pltpu.SemaphoreType.DMA,
            pltpu.SemaphoreType.DMA,
        ],
    )
    def gather_k(table_hbm, idx_hbm, oidx_hbm, out_hbm, idx_v, oidx_v,
                 buf0, buf1, gsem, ssem0, ssem1):
        wid = lax.axis_index("s") * _NC + lax.axis_index("c")
        pltpu.sync_copy(idx_hbm.at[wid], idx_v)
        pltpu.sync_copy(oidx_hbm.at[wid], oidx_v)

        bufs = (buf0, buf1)
        ssems = (ssem0, ssem1)

        @pl.loop(0, n_chunk, step=2)
        def _outer(k0):
            for p in range(2):
                k = k0 + p
                buf = bufs[p]

                @pl.when(k0 > 0)
                def _():
                    for i in range(_S_PER_CHUNK):
                        pltpu.make_async_copy(
                            buf.at[pl.ds(i * _L_IDX, _L_IDX)],
                            out_hbm.at[oidx_v.at[0]],
                            ssems[p]).wait()

                descs = []
                for i in range(_S_PER_CHUNK):
                    j = k * _S_PER_CHUNK + i
                    descs.append(pltpu.async_copy(
                        table_hbm.at[idx_v.at[j]],
                        buf.at[pl.ds(i * _L_IDX, _L_IDX)],
                        gsem))
                for dsc in descs:
                    dsc.wait()

                for i in range(_S_PER_CHUNK):
                    j = k * _S_PER_CHUNK + i
                    pltpu.make_async_copy(
                        buf.at[pl.ds(i * _L_IDX, _L_IDX)],
                        out_hbm.at[oidx_v.at[j]],
                        ssems[p]).start()

        for p in range(2):
            for i in range(_S_PER_CHUNK):
                pltpu.make_async_copy(
                    bufs[p].at[pl.ds(i * _L_IDX, _L_IDX)],
                    out_hbm.at[oidx_v.at[0]],
                    ssems[p]).wait()

    return gather_k


def kernel(input, weight):
    v, d = weight.shape
    b = input.size
    idx = jax.lax.optimization_barrier(input.reshape(-1).astype(jnp.int32))
    t = idx - (4 * _QROWS)
    idx = jnp.where(
        idx < 4 * _QROWS,
        (idx % _QROWS) * 4 + idx // _QROWS,
        4 * _QROWS + 4 * (t % 16) + t // 16,
    )
    idx3 = idx.reshape(_NW, (b // _NW) // _L_IDX, _L_IDX)

    pos = jax.lax.iota(jnp.int32, b)
    oidx = 128 * (pos // 26) + 4 * (pos % 26)
    oidx3 = oidx.reshape(_NW, (b // _NW) // _L_IDX, _L_IDX)

    abs_sum = _abs_sum(weight.T, cblk=65536)
    mean2d = abs_sum / jnp.float32(v * d)

    tern128 = _transtern(weight.T, weight[4 * _QROWS:, :], mean2d)
    table = tern128.reshape(4 * _TT_H, 32)

    n_samp = input.shape[0]
    padded = _make_sc_gather(4 * _TT_H, d, b, 128 * n_samp)(
        table, idx3, oidx3)
    out = padded.reshape(n_samp, 32, 128)[:, :input.shape[1], :d]
    return out

# --- scband reference (transcript-rebuilt; emitter-appended) ---
"""Pipeline reference for scband-ternary-embedding-75720273428526 (READ-ONLY COPY).

The authoritative reference and input builder live on the scoring server;
editing this copy changes nothing except your own understanding.
"""

import jax, jax.numpy as jnp
import numpy as np

NUM_EMBEDDINGS = 1000000
EMBEDDING_DIM = 32
BATCH = 16384
N_FIELDS = 26


def setup_inputs(seed: int = 0) -> dict:
    key = jax.random.key(seed)
    k1, k2 = jax.random.split(key)
    input_idx = jax.random.randint(k1, (BATCH, N_FIELDS), 0, NUM_EMBEDDINGS, dtype=jnp.int64 if jax.config.jax_enable_x64 else jnp.int32)
    weight = jax.random.normal(k2, (NUM_EMBEDDINGS, EMBEDDING_DIM), dtype=jnp.float32)
    return {"input": input_idx, "weight": weight}


def reference(input, weight):
    # ternary_weight(): threshold by mean abs, then sign / zero
    abs_mean = jnp.mean(jnp.abs(weight))
    mask = jnp.abs(weight) > abs_mean
    weight_ternary = jnp.where(mask, jnp.sign(weight), jnp.zeros_like(weight))
    # embedding lookup (gather rows)
    return jnp.take(weight_ternary, input, axis=0)

if __name__ == "__main__":
    import jax
    _d = setup_inputs()
    print(jax.jit(kernel)(*tuple(_d.values())))

</pallas_src>

<mosaic_0001>
#map = affine_map<(d0, d1) -> (0, 0)>
#map1 = affine_map<(d0, d1) -> (0, 0, 0)>
module attributes {stable_mosaic.version = 14 : i64} {
  func.func @gather_k(%arg0: i32, %arg1: i32, %arg2: memref<1032192x32xf32, #tpu.memory_space<hbm>>, %arg3: memref<32x104x128xi32, #tpu.memory_space<hbm>>, %arg4: memref<32x104x128xi32, #tpu.memory_space<hbm>>, %arg5: memref<2097152x32xf32, #tpu.memory_space<hbm>>, %arg6: memref<104x128xi32, #tpu.memory_space<vmem>>, %arg7: memref<104x128xi32, #tpu.memory_space<vmem>>, %arg8: memref<512x32xf32, #tpu.memory_space<vmem>>, %arg9: memref<512x32xf32, #tpu.memory_space<vmem>>, %arg10: memref<!tpu.dma_semaphore, #tpu.memory_space<semaphore_mem>>, %arg11: memref<!tpu.dma_semaphore, #tpu.memory_space<semaphore_mem>>, %arg12: memref<!tpu.dma_semaphore, #tpu.memory_space<semaphore_mem>>) attributes {dimension_semantics = [#tpu.dimension_semantics<core_parallel>, #tpu.dimension_semantics<subcore_parallel>], iteration_bounds = array<i64: 2, 16>, scalar_prefetch = 0 : i64, scratch_operands = 7 : i64, tpu.core_type = #tpu.core_type<sc_vector_subcore>, window_params = [{transform_indices = #map}, {transform_indices = #map1}, {transform_indices = #map1}, {transform_indices = #map}]} {
    %mul3A = arith.constant 2 : i32
    %mul3A_0 = arith.muli %arg1, %mul3A : i32
    %add3A = arith.addi %mul3A_0, %arg0 : i32
    "tpu.region"() ({
      %run_scoped3A = tpu.sem_alloc : memref<!tpu.dma_semaphore, #tpu.memory_space<semaphore_mem>>
      %dma_start3A = arith.constant 0 : i32
      %dma_start3A_84 = arith.constant 0 : i32
      %dma_start3A_85 = tpu.memref_slice %arg3[%add3A, %dma_start3A, %dma_start3A_84] : memref<32x104x128xi32, #tpu.memory_space<hbm>> -> memref<1x104x128xi32, #tpu.memory_space<hbm>>
      %dma_start3A_86 = tpu.memref_squeeze %dma_start3A_85 : memref<1x104x128xi32, #tpu.memory_space<hbm>> -> memref<104x128xi32, #tpu.memory_space<hbm>>
      %dma_start3A_87 = arith.constant 0 : i32
      %dma_start3A_88 = arith.constant 0 : i32
      %dma_start3A_89 = tpu.memref_slice %arg3[%add3A, %dma_start3A_87, %dma_start3A_88] : memref<32x104x128xi32, #tpu.memory_space<hbm>> -> memref<1x104x128xi32, #tpu.memory_space<hbm>>
      %dma_start3A_90 = tpu.memref_squeeze %dma_start3A_89 : memref<1x104x128xi32, #tpu.memory_space<hbm>> -> memref<104x128xi32, #tpu.memory_space<hbm>>
      tpu.enqueue_dma source(%dma_start3A_90 : memref<104x128xi32, #tpu.memory_space<hbm>>) target(%arg6 : memref<104x128xi32, #tpu.memory_space<vmem>>) target_semaphore(%run_scoped3A : memref<!tpu.dma_semaphore, #tpu.memory_space<semaphore_mem>>)
      %dma_wait3A_91 = arith.constant 0 : i32
      %dma_wait3A_92 = arith.constant 0 : i32
      %dma_wait3A_93 = tpu.memref_slice %arg3[%add3A, %dma_wait3A_91, %dma_wait3A_92] : memref<32x104x128xi32, #tpu.memory_space<hbm>> -> memref<1x104x128xi32, #tpu.memory_space<hbm>>
      %dma_wait3A_94 = tpu.memref_squeeze %dma_wait3A_93 : memref<1x104x128xi32, #tpu.memory_space<hbm>> -> memref<104x128xi32, #tpu.memory_space<hbm>>
      %dma_wait3A_95 = arith.constant 0 : i32
      %dma_wait3A_96 = arith.constant 0 : i32
      %dma_wait3A_97 = tpu.memref_slice %arg3[%add3A, %dma_wait3A_95, %dma_wait3A_96] : memref<32x104x128xi32, #tpu.memory_space<hbm>> -> memref<1x104x128xi32, #tpu.memory_space<hbm>>
      %dma_wait3A_98 = tpu.memref_squeeze %dma_wait3A_97 : memref<1x104x128xi32, #tpu.memory_space<hbm>> -> memref<104x128xi32, #tpu.memory_space<hbm>>
      tpu.wait_dma2 semaphore(%run_scoped3A : memref<!tpu.dma_semaphore, #tpu.memory_space<semaphore_mem>>) src(%dma_wait3A_98 : memref<104x128xi32, #tpu.memory_space<hbm>>) dst(%arg6 : memref<104x128xi32, #tpu.memory_space<vmem>>)
      tpu.yield
    }) : () -> ()
    "tpu.region"() ({
      %run_scoped3A = tpu.sem_alloc : memref<!tpu.dma_semaphore, #tpu.memory_space<semaphore_mem>>
      %dma_start3A = arith.constant 0 : i32
      %dma_start3A_84 = arith.constant 0 : i32
      %dma_start3A_85 = tpu.memref_slice %arg4[%add3A, %dma_start3A, %dma_start3A_84] : memref<32x104x128xi32, #tpu.memory_space<hbm>> -> memref<1x104x128xi32, #tpu.memory_space<hbm>>
      %dma_start3A_86 = tpu.memref_squeeze %dma_start3A_85 : memref<1x104x128xi32, #tpu.memory_space<hbm>> -> memref<104x128xi32, #tpu.memory_space<hbm>>
      %dma_start3A_87 = arith.constant 0 : i32
      %dma_start3A_88 = arith.constant 0 : i32
      %dma_start3A_89 = tpu.memref_slice %arg4[%add3A, %dma_start3A_87, %dma_start3A_88] : memref<32x104x128xi32, #tpu.memory_space<hbm>> -> memref<1x104x128xi32, #tpu.memory_space<hbm>>
      %dma_start3A_90 = tpu.memref_squeeze %dma_start3A_89 : memref<1x104x128xi32, #tpu.memory_space<hbm>> -> memref<104x128xi32, #tpu.memory_space<hbm>>
      tpu.enqueue_dma source(%dma_start3A_90 : memref<104x128xi32, #tpu.memory_space<hbm>>) target(%arg7 : memref<104x128xi32, #tpu.memory_space<vmem>>) target_semaphore(%run_scoped3A : memref<!tpu.dma_semaphore, #tpu.memory_space<semaphore_mem>>)
      %dma_wait3A_91 = arith.constant 0 : i32
      %dma_wait3A_92 = arith.constant 0 : i32
      %dma_wait3A_93 = tpu.memref_slice %arg4[%add3A, %dma_wait3A_91, %dma_wait3A_92] : memref<32x104x128xi32, #tpu.memory_space<hbm>> -> memref<1x104x128xi32, #tpu.memory_space<hbm>>
      %dma_wait3A_94 = tpu.memref_squeeze %dma_wait3A_93 : memref<1x104x128xi32, #tpu.memory_space<hbm>> -> memref<104x128xi32, #tpu.memory_space<hbm>>
      %dma_wait3A_95 = arith.constant 0 : i32
      %dma_wait3A_96 = arith.constant 0 : i32
      %dma_wait3A_97 = tpu.memref_slice %arg4[%add3A, %dma_wait3A_95, %dma_wait3A_96] : memref<32x104x128xi32, #tpu.memory_space<hbm>> -> memref<1x104x128xi32, #tpu.memory_space<hbm>>
      %dma_wait3A_98 = tpu.memref_squeeze %dma_wait3A_97 : memref<1x104x128xi32, #tpu.memory_space<hbm>> -> memref<104x128xi32, #tpu.memory_space<hbm>>
      tpu.wait_dma2 semaphore(%run_scoped3A : memref<!tpu.dma_semaphore, #tpu.memory_space<semaphore_mem>>) src(%dma_wait3A_98 : memref<104x128xi32, #tpu.memory_space<hbm>>) dst(%arg7 : memref<104x128xi32, #tpu.memory_space<vmem>>)
      tpu.yield
    }) : () -> ()
    %scan3A = arith.constant 0 : i32
    %scan3A_1 = arith.constant 13 : i32
    %scan3A_2 = arith.addi %scan3A, %scan3A_1 : i32
    %scan3A_3 = arith.constant 1 : i32
    scf.for %scan3A_84 = %scan3A to %scan3A_2 step %scan3A_3  : i32 {
      %mul3A_85 = arith.constant 2 : i32
      %mul3A_86 = arith.muli %scan3A_84, %mul3A_85 : i32
      %add3A_87 = arith.constant 0 : i32
      %add3A_88 = arith.addi %add3A_87, %mul3A_86 : i32
      %add3A_89 = arith.constant 0 : i32
      %add3A_90 = arith.addi %add3A_88, %add3A_89 : i32
      %gt3A = arith.constant 0 : i32
      %gt3A_91 = arith.cmpi sgt, %add3A_88, %gt3A : i32
      %convert_element_type3A = arith.extui %gt3A_91 : i1 to i32
      %cond3A = arith.constant 0 : i32
      %cond3A_92 = arith.cmpi ne, %convert_element_type3A, %cond3A : i32
      scf.if %cond3A_92 {
        %dma_wait3A_379 = arith.constant 0 : i32
        %dma_wait3A_380 = arith.constant 0 : i32
        %dma_wait3A_381 = arith.constant 0 : i32
        %dma_wait3A_382 = tpu.memref_slice %arg8[%dma_wait3A_380, %dma_wait3A_381] : memref<512x32xf32, #tpu.memory_space<vmem>> -> memref<128x32xf32, #tpu.memory_space<vmem>>
        %dma_wait3A_383 = arith.constant 0 : i32
        %dma_wait3A_384 = tpu.memref_slice %arg7[%dma_wait3A_379, %dma_wait3A_383] : memref<104x128xi32, #tpu.memory_space<vmem>> -> memref<1x128xi32, #tpu.memory_space<vmem>>
        %dma_wait3A_385 = tpu.memref_squeeze %dma_wait3A_384 : memref<1x128xi32, #tpu.memory_space<vmem>> -> memref<128xi32, #tpu.memory_space<vmem>>
        %dma_wait3A_386 = arith.constant 0 : i32
        %dma_wait3A_387 = arith.constant 0 : i32
        %dma_wait3A_388 = tpu.memref_slice %arg5[%dma_wait3A_386, %dma_wait3A_387] : memref<2097152x32xf32, #tpu.memory_space<hbm>> -> memref<2097152x32xf32, #tpu.memory_space<hbm>>
        tpu.wait_indirect_dma semaphore(%arg11 : memref<!tpu.dma_semaphore, #tpu.memory_space<semaphore_mem>>) src(%dma_wait3A_382 : memref<128x32xf32, #tpu.memory_space<vmem>>) dst(%dma_wait3A_388 : memref<2097152x32xf32, #tpu.memory_space<hbm>>)
        %dma_wait3A_389 = arith.constant 0 : i32
        %dma_wait3A_390 = arith.constant 128 : i32
        %dma_wait3A_391 = arith.constant 0 : i32
        %dma_wait3A_392 = tpu.memref_slice %arg8[%dma_wait3A_390, %dma_wait3A_391] : memref<512x32xf32, #tpu.memory_space<vmem>> -> memref<128x32xf32, #tpu.memory_space<vmem>>
        %dma_wait3A_393 = arith.constant 0 : i32
        %dma_wait3A_394 = tpu.memref_slice %arg7[%dma_wait3A_389, %dma_wait3A_393] : memref<104x128xi32, #tpu.memory_space<vmem>> -> memref<1x128xi32, #tpu.memory_space<vmem>>
        %dma_wait3A_395 = tpu.memref_squeeze %dma_wait3A_394 : memref<1x128xi32, #tpu.memory_space<vmem>> -> memref<128xi32, #tpu.memory_space<vmem>>
        %dma_wait3A_396 = arith.constant 0 : i32
        %dma_wait3A_397 = arith.constant 0 : i32
        %dma_wait3A_398 = tpu.memref_slice %arg5[%dma_wait3A_396, %dma_wait3A_397] : memref<2097152x32xf32, #tpu.memory_space<hbm>> -> memref<2097152x32xf32, #tpu.memory_space<hbm>>
        tpu.wait_indirect_dma semaphore(%arg11 : memref<!tpu.dma_semaphore, #tpu.memory_space<semaphore_mem>>) src(%dma_wait3A_392 : memref<128x32xf32, #tpu.memory_space<vmem>>) dst(%dma_wait3A_398 : memref<2097152x32xf32, #tpu.memory_space<hbm>>)
        %dma_wait3A_399 = arith.constant 0 : i32
        %dma_wait3A_400 = arith.constant 256 : i32
        %dma_wait3A_401 = arith.constant 0 : i32
        %dma_wait3A_402 = tpu.memref_slice %arg8[%dma_wait3A_400, %dma_wait3A_401] : memref<512x32xf32, #tpu.memory_space<vmem>> -> memref<128x32xf32, #tpu.memory_space<vmem>>
        %dma_wait3A_403 = arith.constant 0 : i32
        %dma_wait3A_404 = tpu.memref_slice %arg7[%dma_wait3A_399, %dma_wait3A_403] : memref<104x128xi32, #tpu.memory_space<vmem>> -> memref<1x128xi32, #tpu.memory_space<vmem>>
        %dma_wait3A_405 = tpu.memref_squeeze %dma_wait3A_404 : memref<1x128xi32, #tpu.memory_space<vmem>> -> memref<128xi32, #tpu.memory_space<vmem>>
        %dma_wait3A_406 = arith.constant 0 : i32
        %dma_wait3A_407 = arith.constant 0 : i32
        %dma_wait3A_408 = tpu.memref_slice %arg5[%dma_wait3A_406, %dma_wait3A_407] : memref<2097152x32xf32, #tpu.memory_space<hbm>> -> memref<2097152x32xf32, #tpu.memory_space<hbm>>
        tpu.wait_indirect_dma semaphore(%arg11 : memref<!tpu.dma_semaphore, #tpu.memory_space<semaphore_mem>>) src(%dma_wait3A_402 : memref<128x32xf32, #tpu.memory_space<vmem>>) dst(%dma_wait3A_408 : memref<2097152x32xf32, #tpu.memory_space<hbm>>)
        %dma_wait3A_409 = arith.constant 0 : i32
        %dma_wait3A_410 = arith.constant 384 : i32
        %dma_wait3A_411 = arith.constant 0 : i32
        %dma_wait3A_412 = tpu.memref_slice %arg8[%dma_wait3A_410, %dma_wait3A_411] : memref<512x32xf32, #tpu.memory_space<vmem>> -> memref<128x32xf32, #tpu.memory_space<vmem>>
        %dma_wait3A_413 = arith.constant 0 : i32
        %dma_wait3A_414 = tpu.memref_slice %arg7[%dma_wait3A_409, %dma_wait3A_413] : memref<104x128xi32, #tpu.memory_space<vmem>> -> memref<1x128xi32, #tpu.memory_space<vmem>>
        %dma_wait3A_415 = tpu.memref_squeeze %dma_wait3A_414 : memref<1x128xi32, #tpu.memory_space<vmem>> -> memref<128xi32, #tpu.memory_space<vmem>>
        %dma_wait3A_416 = arith.constant 0 : i32
        %dma_wait3A_417 = arith.constant 0 : i32
        %dma_wait3A_418 = tpu.memref_slice %arg5[%dma_wait3A_416, %dma_wait3A_417] : memref<2097152x32xf32, #tpu.memory_space<hbm>> -> memref<2097152x32xf32, #tpu.memory_space<hbm>>
        tpu.wait_indirect_dma semaphore(%arg11 : memref<!tpu.dma_semaphore, #tpu.memory_space<semaphore_mem>>) src(%dma_wait3A_412 : memref<128x32xf32, #tpu.memory_space<vmem>>) dst(%dma_wait3A_418 : memref<2097152x32xf32, #tpu.memory_space<hbm>>)
      } else {
      }
      %mul3A_93 = arith.constant 4 : i32
      %mul3A_94 = arith.muli %add3A_90, %mul3A_93 : i32
      %add3A_95 = arith.constant 0 : i32
      %add3A_96 = arith.addi %mul3A_94, %add3A_95 : i32
      %dma_start3A = arith.constant 0 : i32
      %dma_start3A_97 = arith.constant 0 : i32
      %dma_start3A_98 = tpu.memref_slice %arg8[%dma_start3A, %dma_start3A_97] : memref<512x32xf32, #tpu.memory_space<vmem>> -> memref<128x32xf32, #tpu.memory_space<vmem>>
      %dma_start3A_99 = arith.constant 0 : i32
      %dma_start3A_100 = tpu.memref_slice %arg6[%add3A_96, %dma_start3A_99] : memref<104x128xi32, #tpu.memory_space<vmem>> -> memref<1x128xi32, #tpu.memory_space<vmem>>
      %dma_start3A_101 = tpu.memref_squeeze %dma_start3A_100 : memref<1x128xi32, #tpu.memory_space<vmem>> -> memref<128xi32, #tpu.memory_space<vmem>>
      %dma_start3A_102 = arith.constant 0 : i32
      %dma_start3A_103 = arith.constant 0 : i32
      %dma_start3A_104 = tpu.memref_slice %arg2[%dma_start3A_102, %dma_start3A_103] : memref<1032192x32xf32, #tpu.memory_space<hbm>> -> memref<1032192x32xf32, #tpu.memory_space<hbm>>
      tpu.enqueue_indirect_dma source(%dma_start3A_104 : memref<1032192x32xf32, #tpu.memory_space<hbm>>) target(%dma_start3A_98 : memref<128x32xf32, #tpu.memory_space<vmem>>) offsets(%dma_start3A_101 : memref<128xi32, #tpu.memory_space<vmem>>) semaphore(%arg10 : memref<!tpu.dma_semaphore, #tpu.memory_space<semaphore_mem>>)
      %mul3A_105 = arith.constant 4 : i32
      %mul3A_106 = arith.muli %add3A_90, %mul3A_105 : i32
      %add3A_107 = arith.constant 1 : i32
      %add3A_108 = arith.addi %mul3A_106, %add3A_107 : i32
      %dma_start3A_109 = arith.constant 128 : i32
      %dma_start3A_110 = arith.constant 0 : i32
      %dma_start3A_111 = tpu.memref_slice %arg8[%dma_start3A_109, %dma_start3A_110] : memref<512x32xf32, #tpu.memory_space<vmem>> -> memref<128x32xf32, #tpu.memory_space<vmem>>
      %dma_start3A_112 = arith.constant 0 : i32
      %dma_start3A_113 = tpu.memref_slice %arg6[%add3A_108, %dma_start3A_112] : memref<104x128xi32, #tpu.memory_space<vmem>> -> memref<1x128xi32, #tpu.memory_space<vmem>>
      %dma_start3A_114 = tpu.memref_squeeze %dma_start3A_113 : memref<1x128xi32, #tpu.memory_space<vmem>> -> memref<128xi32, #tpu.memory_space<vmem>>
      %dma_start3A_115 = arith.constant 0 : i32
      %dma_start3A_116 = arith.constant 0 : i32
      %dma_start3A_117 = tpu.memref_slice %arg2[%dma_start3A_115, %dma_start3A_116] : memref<1032192x32xf32, #tpu.memory_space<hbm>> -> memref<1032192x32xf32, #tpu.memory_space<hbm>>
      tpu.enqueue_indirect_dma source(%dma_start3A_117 : memref<1032192x32xf32, #tpu.memory_space<hbm>>) target(%dma_start3A_111 : memref<128x32xf32, #tpu.memory_space<vmem>>) offsets(%dma_start3A_114 : memref<128xi32, #tpu.memory_space<vmem>>) semaphore(%arg10 : memref<!tpu.dma_semaphore, #tpu.memory_space<semaphore_mem>>)
      %mul3A_118 = arith.constant 4 : i32
      %mul3A_119 = arith.muli %add3A_90, %mul3A_118 : i32
      %add3A_120 = arith.constant 2 : i32
      %add3A_121 = arith.addi %mul3A_119, %add3A_120 : i32
      %dma_start3A_122 = arith.constant 256 : i32
      %dma_start3A_123 = arith.constant 0 : i32
      %dma_start3A_124 = tpu.memref_slice %arg8[%dma_start3A_122, %dma_start3A_123] : memref<512x32xf32, #tpu.memory_space<vmem>> -> memref<128x32xf32, #tpu.memory_space<vmem>>
      %dma_start3A_125 = arith.constant 0 : i32
      %dma_start3A_126 = tpu.memref_slice %arg6[%add3A_121, %dma_start3A_125] : memref<104x128xi32, #tpu.memory_space<vmem>> -> memref<1x128xi32, #tpu.memory_space<vmem>>
      %dma_start3A_127 = tpu.memref_squeeze %dma_start3A_126 : memref<1x128xi32, #tpu.memory_space<vmem>> -> memref<128xi32, #tpu.memory_space<vmem>>
      %dma_start3A_128 = arith.constant 0 : i32
      %dma_start3A_129 = arith.constant 0 : i32
      %dma_start3A_130 = tpu.memref_slice %arg2[%dma_start3A_128, %dma_start3A_129] : memref<1032192x32xf32, #tpu.memory_space<hbm>> -> memref<1032192x32xf32, #tpu.memory_space<hbm>>
      tpu.enqueue_indirect_dma source(%dma_start3A_130 : memref<1032192x32xf32, #tpu.memory_space<hbm>>) target(%dma_start3A_124 : memref<128x32xf32, #tpu.memory_space<vmem>>) offsets(%dma_start3A_127 : memref<128xi32, #tpu.memory_space<vmem>>) semaphore(%arg10 : memref<!tpu.dma_semaphore, #tpu.memory_space<semaphore_mem>>)
      %mul3A_131 = arith.constant 4 : i32
      %mul3A_132 = arith.muli %add3A_90, %mul3A_131 : i32
      %add3A_133 = arith.constant 3 : i32
      %add3A_134 = arith.addi %mul3A_132, %add3A_133 : i32
      %dma_start3A_135 = arith.constant 384 : i32
      %dma_start3A_136 = arith.constant 0 : i32
      %dma_start3A_137 = tpu.memref_slice %arg8[%dma_start3A_135, %dma_start3A_136] : memref<512x32xf32, #tpu.memory_space<vmem>> -> memref<128x32xf32, #tpu.memory_space<vmem>>
      %dma_start3A_138 = arith.constant 0 : i32
      %dma_start3A_139 = tpu.memref_slice %arg6[%add3A_134, %dma_start3A_138] : memref<104x128xi32, #tpu.memory_space<vmem>> -> memref<1x128xi32, #tpu.memory_space<vmem>>
      %dma_start3A_140 = tpu.memref_squeeze %dma_start3A_139 : memref<1x128xi32, #tpu.memory_space<vmem>> -> memref<128xi32, #tpu.memory_space<vmem>>
      %dma_start3A_141 = arith.constant 0 : i32
      %dma_start3A_142 = arith.constant 0 : i32
      %dma_start3A_143 = tpu.memref_slice %arg2[%dma_start3A_141, %dma_start3A_142] : memref<1032192x32xf32, #tpu.memory_space<hbm>> -> memref<1032192x32xf32, #tpu.memory_space<hbm>>
      tpu.enqueue_indirect_dma source(%dma_start3A_143 : memref<1032192x32xf32, #tpu.memory_space<hbm>>) target(%dma_start3A_137 : memref<128x32xf32, #tpu.memory_space<vmem>>) offsets(%dma_start3A_140 : memref<128xi32, #tpu.memory_space<vmem>>) semaphore(%arg10 : memref<!tpu.dma_semaphore, #tpu.memory_space<semaphore_mem>>)
      %dma_wait3A_144 = arith.constant 0 : i32
      %dma_wait3A_145 = arith.constant 0 : i32
      %dma_wait3A_146 = tpu.memref_slice %arg8[%dma_wait3A_144, %dma_wait3A_145] : memref<512x32xf32, #tpu.memory_space<vmem>> -> memref<128x32xf32, #tpu.memory_space<vmem>>
      %dma_wait3A_147 = arith.constant 0 : i32
      %dma_wait3A_148 = tpu.memref_slice %arg6[%add3A_96, %dma_wait3A_147] : memref<104x128xi32, #tpu.memory_space<vmem>> -> memref<1x128xi32, #tpu.memory_space<vmem>>
      %dma_wait3A_149 = tpu.memref_squeeze %dma_wait3A_148 : memref<1x128xi32, #tpu.memory_space<vmem>> -> memref<128xi32, #tpu.memory_space<vmem>>
      %dma_wait3A_150 = arith.constant 0 : i32
      %dma_wait3A_151 = arith.constant 0 : i32
      %dma_wait3A_152 = tpu.memref_slice %arg2[%dma_wait3A_150, %dma_wait3A_151] : memref<1032192x32xf32, #tpu.memory_space<hbm>> -> memref<1032192x32xf32, #tpu.memory_space<hbm>>
      tpu.wait_indirect_dma semaphore(%arg10 : memref<!tpu.dma_semaphore, #tpu.memory_space<semaphore_mem>>) src(%dma_wait3A_152 : memref<1032192x32xf32, #tpu.memory_space<hbm>>) dst(%dma_wait3A_146 : memref<128x32xf32, #tpu.memory_space<vmem>>)
      %dma_wait3A_153 = arith.constant 128 : i32
      %dma_wait3A_154 = arith.constant 0 : i32
      %dma_wait3A_155 = tpu.memref_slice %arg8[%dma_wait3A_153, %dma_wait3A_154] : memref<512x32xf32, #tpu.memory_space<vmem>> -> memref<128x32xf32, #tpu.memory_space<vmem>>
      %dma_wait3A_156 = arith.constant 0 : i32
      %dma_wait3A_157 = tpu.memref_slice %arg6[%add3A_108, %dma_wait3A_156] : memref<104x128xi32, #tpu.memory_space<vmem>> -> memref<1x128xi32, #tpu.memory_space<vmem>>
      %dma_wait3A_158 = tpu.memref_squeeze %dma_wait3A_157 : memref<1x128xi32, #tpu.memory_space<vmem>> -> memref<128xi32, #tpu.memory_space<vmem>>
      %dma_wait3A_159 = arith.constant 0 : i32
      %dma_wait3A_160 = arith.constant 0 : i32
      %dma_wait3A_161 = tpu.memref_slice %arg2[%dma_wait3A_159, %dma_wait3A_160] : memref<1032192x32xf32, #tpu.memory_space<hbm>> -> memref<1032192x32xf32, #tpu.memory_space<hbm>>
      tpu.wait_indirect_dma semaphore(%arg10 : memref<!tpu.dma_semaphore, #tpu.memory_space<semaphore_mem>>) src(%dma_wait3A_161 : memref<1032192x32xf32, #tpu.memory_space<hbm>>) dst(%dma_wait3A_155 : memref<128x32xf32, #tpu.memory_space<vmem>>)
      %dma_wait3A_162 = arith.constant 256 : i32
      %dma_wait3A_163 = arith.constant 0 : i32
      %dma_wait3A_164 = tpu.memref_slice %arg8[%dma_wait3A_162, %dma_wait3A_163] : memref<512x32xf32, #tpu.memory_space<vmem>> -> memref<128x32xf32, #tpu.memory_space<vmem>>
      %dma_wait3A_165 = arith.constant 0 : i32
      %dma_wait3A_166 = tpu.memref_slice %arg6[%add3A_121, %dma_wait3A_165] : memref<104x128xi32, #tpu.memory_space<vmem>> -> memref<1x128xi32, #tpu.memory_space<vmem>>
      %dma_wait3A_167 = tpu.memref_squeeze %dma_wait3A_166 : memref<1x128xi32, #tpu.memory_space<vmem>> -> memref<128xi32, #tpu.memory_space<vmem>>
      %dma_wait3A_168 = arith.constant 0 : i32
      %dma_wait3A_169 = arith.constant 0 : i32
      %dma_wait3A_170 = tpu.memref_slice %arg2[%dma_wait3A_168, %dma_wait3A_169] : memref<1032192x32xf32, #tpu.memory_space<hbm>> -> memref<1032192x32xf32, #tpu.memory_space<hbm>>
      tpu.wait_indirect_dma semaphore(%arg10 : memref<!tpu.dma_semaphore, #tpu.memory_space<semaphore_mem>>) src(%dma_wait3A_170 : memref<1032192x32xf32, #tpu.memory_space<hbm>>) dst(%dma_wait3A_164 : memref<128x32xf32, #tpu.memory_space<vmem>>)
      %dma_wait3A_171 = arith.constant 384 : i32
      %dma_wait3A_172 = arith.constant 0 : i32
      %dma_wait3A_173 = tpu.memref_slice %arg8[%dma_wait3A_171, %dma_wait3A_172] : memref<512x32xf32, #tpu.memory_space<vmem>> -> memref<128x32xf32, #tpu.memory_space<vmem>>
      %dma_wait3A_174 = arith.constant 0 : i32
      %dma_wait3A_175 = tpu.memref_slice %arg6[%add3A_134, %dma_wait3A_174] : memref<104x128xi32, #tpu.memory_space<vmem>> -> memref<1x128xi32, #tpu.memory_space<vmem>>
      %dma_wait3A_176 = tpu.memref_squeeze %dma_wait3A_175 : memref<1x128xi32, #tpu.memory_space<vmem>> -> memref<128xi32, #tpu.memory_space<vmem>>
      %dma_wait3A_177 = arith.constant 0 : i32
      %dma_wait3A_178 = arith.constant 0 : i32
      %dma_wait3A_179 = tpu.memref_slice %arg2[%dma_wait3A_177, %dma_wait3A_178] : memref<1032192x32xf32, #tpu.memory_space<hbm>> -> memref<1032192x32xf32, #tpu.memory_space<hbm>>
      tpu.wait_indirect_dma semaphore(%arg10 : memref<!tpu.dma_semaphore, #tpu.memory_space<semaphore_mem>>) src(%dma_wait3A_179 : memref<1032192x32xf32, #tpu.memory_space<hbm>>) dst(%dma_wait3A_173 : memref<128x32xf32, #tpu.memory_space<vmem>>)
      %mul3A_180 = arith.constant 4 : i32
      %mul3A_181 = arith.muli %add3A_90, %mul3A_180 : i32
      %add3A_182 = arith.constant 0 : i32
      %add3A_183 = arith.addi %mul3A_181, %add3A_182 : i32
      %dma_start3A_184 = arith.constant 0 : i32
      %dma_start3A_185 = arith.constant 0 : i32
      %dma_start3A_186 = tpu.memref_slice %arg8[%dma_start3A_184, %dma_start3A_185] : memref<512x32xf32, #tpu.memory_space<vmem>> -> memref<128x32xf32, #tpu.memory_space<vmem>>
      %dma_start3A_187 = arith.constant 0 : i32
      %dma_start3A_188 = tpu.memref_slice %arg7[%add3A_183, %dma_start3A_187] : memref<104x128xi32, #tpu.memory_space<vmem>> -> memref<1x128xi32, #tpu.memory_space<vmem>>
      %dma_start3A_189 = tpu.memref_squeeze %dma_start3A_188 : memref<1x128xi32, #tpu.memory_space<vmem>> -> memref<128xi32, #tpu.memory_space<vmem>>
      %dma_start3A_190 = arith.constant 0 : i32
      %dma_start3A_191 = arith.constant 0 : i32
      %dma_start3A_192 = tpu.memref_slice %arg5[%dma_start3A_190, %dma_start3A_191] : memref<2097152x32xf32, #tpu.memory_space<hbm>> -> memref<2097152x32xf32, #tpu.memory_space<hbm>>
      tpu.enqueue_indirect_dma source(%dma_start3A_186 : memref<128x32xf32, #tpu.memory_space<vmem>>) target(%dma_start3A_192 : memref<2097152x32xf32, #tpu.memory_space<hbm>>) offsets(%dma_start3A_189 : memref<128xi32, #tpu.memory_space<vmem>>) semaphore(%arg11 : memref<!tpu.dma_semaphore, #tpu.memory_space<semaphore_mem>>)
      %mul3A_193 = arith.constant 4 : i32
      %mul3A_194 = arith.muli %add3A_90, %mul3A_193 : i32
      %add3A_195 = arith.constant 1 : i32
      %add3A_196 = arith.addi %mul3A_194, %add3A_195 : i32
      %dma_start3A_197 = arith.constant 128 : i32
      %dma_start3A_198 = arith.constant 0 : i32
      %dma_start3A_199 = tpu.memref_slice %arg8[%dma_start3A_197, %dma_start3A_198] : memref<512x32xf32, #tpu.memory_space<vmem>> -> memref<128x32xf32, #tpu.memory_space<vmem>>
      %dma_start3A_200 = arith.constant 0 : i32
      %dma_start3A_201 = tpu.memref_slice %arg7[%add3A_196, %dma_start3A_200] : memref<104x128xi32, #tpu.memory_space<vmem>> -> memref<1x128xi32, #tpu.memory_space<vmem>>
      %dma_start3A_202 = tpu.memref_squeeze %dma_start3A_201 : memref<1x128xi32, #tpu.memory_space<vmem>> -> memref<128xi32, #tpu.memory_space<vmem>>
      %dma_start3A_203 = arith.constant 0 : i32
      %dma_start3A_204 = arith.constant 0 : i32
      %dma_start3A_205 = tpu.memref_slice %arg5[%dma_start3A_203, %dma_start3A_204] : memref<2097152x32xf32, #tpu.memory_space<hbm>> -> memref<2097152x32xf32, #tpu.memory_space<hbm>>
      tpu.enqueue_indirect_dma source(%dma_start3A_199 : memref<128x32xf32, #tpu.memory_space<vmem>>) target(%dma_start3A_205 : memref<2097152x32xf32, #tpu.memory_space<hbm>>) offsets(%dma_start3A_202 : memref<128xi32, #tpu.memory_space<vmem>>) semaphore(%arg11 : memref<!tpu.dma_semaphore, #tpu.memory_space<semaphore_mem>>)
      %mul3A_206 = arith.constant 4 : i32
      %mul3A_207 = arith.muli %add3A_90, %mul3A_206 : i32
      %add3A_208 = arith.constant 2 : i32
      %add3A_209 = arith.addi %mul3A_207, %add3A_208 : i32
      %dma_start3A_210 = arith.constant 256 : i32
      %dma_start3A_211 = arith.constant 0 : i32
      %dma_start3A_212 = tpu.memref_slice %arg8[%dma_start3A_210, %dma_start3A_211] : memref<512x32xf32, #tpu.memory_space<vmem>> -> memref<128x32xf32, #tpu.memory_space<vmem>>
      %dma_start3A_213 = arith.constant 0 : i32
      %dma_start3A_214 = tpu.memref_slice %arg7[%add3A_209, %dma_start3A_213] : memref<104x128xi32, #tpu.memory_space<vmem>> -> memref<1x128xi32, #tpu.memory_space<vmem>>
      %dma_start3A_215 = tpu.memref_squeeze %dma_start3A_214 : memref<1x128xi32, #tpu.memory_space<vmem>> -> memref<128xi32, #tpu.memory_space<vmem>>
      %dma_start3A_216 = arith.constant 0 : i32
      %dma_start3A_217 = arith.constant 0 : i32
      %dma_start3A_218 = tpu.memref_slice %arg5[%dma_start3A_216, %dma_start3A_217] : memref<2097152x32xf32, #tpu.memory_space<hbm>> -> memref<2097152x32xf32, #tpu.memory_space<hbm>>
      tpu.enqueue_indirect_dma source(%dma_start3A_212 : memref<128x32xf32, #tpu.memory_space<vmem>>) target(%dma_start3A_218 : memref<2097152x32xf32, #tpu.memory_space<hbm>>) offsets(%dma_start3A_215 : memref<128xi32, #tpu.memory_space<vmem>>) semaphore(%arg11 : memref<!tpu.dma_semaphore, #tpu.memory_space<semaphore_mem>>)
      %mul3A_219 = arith.constant 4 : i32
      %mul3A_220 = arith.muli %add3A_90, %mul3A_219 : i32
      %add3A_221 = arith.constant 3 : i32
      %add3A_222 = arith.addi %mul3A_220, %add3A_221 : i32
      %dma_start3A_223 = arith.constant 384 : i32
      %dma_start3A_224 = arith.constant 0 : i32
      %dma_start3A_225 = tpu.memref_slice %arg8[%dma_start3A_223, %dma_start3A_224] : memref<512x32xf32, #tpu.memory_space<vmem>> -> memref<128x32xf32, #tpu.memory_space<vmem>>
      %dma_start3A_226 = arith.constant 0 : i32
      %dma_start3A_227 = tpu.memref_slice %arg7[%add3A_222, %dma_start3A_226] : memref<104x128xi32, #tpu.memory_space<vmem>> -> memref<1x128xi32, #tpu.memory_space<vmem>>
      %dma_start3A_228 = tpu.memref_squeeze %dma_start3A_227 : memref<1x128xi32, #tpu.memory_space<vmem>> -> memref<128xi32, #tpu.memory_space<vmem>>
      %dma_start3A_229 = arith.constant 0 : i32
      %dma_start3A_230 = arith.constant 0 : i32
      %dma_start3A_231 = tpu.memref_slice %arg5[%dma_start3A_229, %dma_start3A_230] : memref<2097152x32xf32, #tpu.memory_space<hbm>> -> memref<2097152x32xf32, #tpu.memory_space<hbm>>
      tpu.enqueue_indirect_dma source(%dma_start3A_225 : memref<128x32xf32, #tpu.memory_space<vmem>>) target(%dma_start3A_231 : memref<2097152x32xf32, #tpu.memory_space<hbm>>) offsets(%dma_start3A_228 : memref<128xi32, #tpu.memory_space<vmem>>) semaphore(%arg11 : memref<!tpu.dma_semaphore, #tpu.memory_space<semaphore_mem>>)
      %add3A_232 = arith.constant 1 : i32
      %add3A_233 = arith.addi %add3A_88, %add3A_232 : i32
      %gt3A_234 = arith.constant 0 : i32
      %gt3A_235 = arith.cmpi sgt, %add3A_88, %gt3A_234 : i32
      %convert_element_type3A_236 = arith.extui %gt3A_235 : i1 to i32
      %cond3A_237 = arith.constant 0 : i32
      %cond3A_238 = arith.cmpi ne, %convert_element_type3A_236, %cond3A_237 : i32
      scf.if %cond3A_238 {
        %dma_wait3A_379 = arith.constant 0 : i32
        %dma_wait3A_380 = arith.constant 0 : i32
        %dma_wait3A_381 = arith.constant 0 : i32
        %dma_wait3A_382 = tpu.memref_slice %arg9[%dma_wait3A_380, %dma_wait3A_381] : memref<512x32xf32, #tpu.memory_space<vmem>> -> memref<128x32xf32, #tpu.memory_space<vmem>>
        %dma_wait3A_383 = arith.constant 0 : i32
        %dma_wait3A_384 = tpu.memref_slice %arg7[%dma_wait3A_379, %dma_wait3A_383] : memref<104x128xi32, #tpu.memory_space<vmem>> -> memref<1x128xi32, #tpu.memory_space<vmem>>
        %dma_wait3A_385 = tpu.memref_squeeze %dma_wait3A_384 : memref<1x128xi32, #tpu.memory_space<vmem>> -> memref<128xi32, #tpu.memory_space<vmem>>
        %dma_wait3A_386 = arith.constant 0 : i32
        %dma_wait3A_387 = arith.constant 0 : i32
        %dma_wait3A_388 = tpu.memref_slice %arg5[%dma_wait3A_386, %dma_wait3A_387] : memref<2097152x32xf32, #tpu.memory_space<hbm>> -> memref<2097152x32xf32, #tpu.memory_space<hbm>>
        tpu.wait_indirect_dma semaphore(%arg12 : memref<!tpu.dma_semaphore, #tpu.memory_space<semaphore_mem>>) src(%dma_wait3A_382 : memref<128x32xf32, #tpu.memory_space<vmem>>) dst(%dma_wait3A_388 : memref<2097152x32xf32, #tpu.memory_space<hbm>>)
        %dma_wait3A_389 = arith.constant 0 : i32
        %dma_wait3A_390 = arith.constant 128 : i32
        %dma_wait3A_391 = arith.constant 0 : i32
        %dma_wait3A_392 = tpu.memref_slice %arg9[%dma_wait3A_390, %dma_wait3A_391] : memref<512x32xf32, #tpu.memory_space<vmem>> -> memref<128x32xf32, #tpu.memory_space<vmem>>
        %dma_wait3A_393 = arith.constant 0 : i32
        %dma_wait3A_394 = tpu.memref_slice %arg7[%dma_wait3A_389, %dma_wait3A_393] : memref<104x128xi32, #tpu.memory_space<vmem>> -> memref<1x128xi32, #tpu.memory_space<vmem>>
        %dma_wait3A_395 = tpu.memref_squeeze %dma_wait3A_394 : memref<1x128xi32, #tpu.memory_space<vmem>> -> memref<128xi32, #tpu.memory_space<vmem>>
        %dma_wait3A_396 = arith.constant 0 : i32
        %dma_wait3A_397 = arith.constant 0 : i32
        %dma_wait3A_398 = tpu.memref_slice %arg5[%dma_wait3A_396, %dma_wait3A_397] : memref<2097152x32xf32, #tpu.memory_space<hbm>> -> memref<2097152x32xf32, #tpu.memory_space<hbm>>
        tpu.wait_indirect_dma semaphore(%arg12 : memref<!tpu.dma_semaphore, #tpu.memory_space<semaphore_mem>>) src(%dma_wait3A_392 : memref<128x32xf32, #tpu.memory_space<vmem>>) dst(%dma_wait3A_398 : memref<2097152x32xf32, #tpu.memory_space<hbm>>)
        %dma_wait3A_399 = arith.constant 0 : i32
        %dma_wait3A_400 = arith.constant 256 : i32
        %dma_wait3A_401 = arith.constant 0 : i32
        %dma_wait3A_402 = tpu.memref_slice %arg9[%dma_wait3A_400, %dma_wait3A_401] : memref<512x32xf32, #tpu.memory_space<vmem>> -> memref<128x32xf32, #tpu.memory_space<vmem>>
        %dma_wait3A_403 = arith.constant 0 : i32
        %dma_wait3A_404 = tpu.memref_slice %arg7[%dma_wait3A_399, %dma_wait3A_403] : memref<104x128xi32, #tpu.memory_space<vmem>> -> memref<1x128xi32, #tpu.memory_space<vmem>>
        %dma_wait3A_405 = tpu.memref_squeeze %dma_wait3A_404 : memref<1x128xi32, #tpu.memory_space<vmem>> -> memref<128xi32, #tpu.memory_space<vmem>>
        %dma_wait3A_406 = arith.constant 0 : i32
        %dma_wait3A_407 = arith.constant 0 : i32
        %dma_wait3A_408 = tpu.memref_slice %arg5[%dma_wait3A_406, %dma_wait3A_407] : memref<2097152x32xf32, #tpu.memory_space<hbm>> -> memref<2097152x32xf32, #tpu.memory_space<hbm>>
        tpu.wait_indirect_dma semaphore(%arg12 : memref<!tpu.dma_semaphore, #tpu.memory_space<semaphore_mem>>) src(%dma_wait3A_402 : memref<128x32xf32, #tpu.memory_space<vmem>>) dst(%dma_wait3A_408 : memref<2097152x32xf32, #tpu.memory_space<hbm>>)
        %dma_wait3A_409 = arith.constant 0 : i32
        %dma_wait3A_410 = arith.constant 384 : i32
        %dma_wait3A_411 = arith.constant 0 : i32
        %dma_wait3A_412 = tpu.memref_slice %arg9[%dma_wait3A_410, %dma_wait3A_411] : memref<512x32xf32, #tpu.memory_space<vmem>> -> memref<128x32xf32, #tpu.memory_space<vmem>>
        %dma_wait3A_413 = arith.constant 0 : i32
        %dma_wait3A_414 = tpu.memref_slice %arg7[%dma_wait3A_409, %dma_wait3A_413] : memref<104x128xi32, #tpu.memory_space<vmem>> -> memref<1x128xi32, #tpu.memory_space<vmem>>
        %dma_wait3A_415 = tpu.memref_squeeze %dma_wait3A_414 : memref<1x128xi32, #tpu.memory_space<vmem>> -> memref<128xi32, #tpu.memory_space<vmem>>
        %dma_wait3A_416 = arith.constant 0 : i32
        %dma_wait3A_417 = arith.constant 0 : i32
        %dma_wait3A_418 = tpu.memref_slice %arg5[%dma_wait3A_416, %dma_wait3A_417] : memref<2097152x32xf32, #tpu.memory_space<hbm>> -> memref<2097152x32xf32, #tpu.memory_space<hbm>>
        tpu.wait_indirect_dma semaphore(%arg12 : memref<!tpu.dma_semaphore, #tpu.memory_space<semaphore_mem>>) src(%dma_wait3A_412 : memref<128x32xf32, #tpu.memory_space<vmem>>) dst(%dma_wait3A_418 : memref<2097152x32xf32, #tpu.memory_space<hbm>>)
      } else {
      }
      %mul3A_239 = arith.constant 4 : i32
      %mul3A_240 = arith.muli %add3A_233, %mul3A_239 : i32
      %add3A_241 = arith.constant 0 : i32
      %add3A_242 = arith.addi %mul3A_240, %add3A_241 : i32
      %dma_start3A_243 = arith.constant 0 : i32
      %dma_start3A_244 = arith.constant 0 : i32
      %dma_start3A_245 = tpu.memref_slice %arg9[%dma_start3A_243, %dma_start3A_244] : memref<512x32xf32, #tpu.memory_space<vmem>> -> memref<128x32xf32, #tpu.memory_space<vmem>>
      %dma_start3A_246 = arith.constant 0 : i32
      %dma_start3A_247 = tpu.memref_slice %arg6[%add3A_242, %dma_start3A_246] : memref<104x128xi32, #tpu.memory_space<vmem>> -> memref<1x128xi32, #tpu.memory_space<vmem>>
      %dma_start3A_248 = tpu.memref_squeeze %dma_start3A_247 : memref<1x128xi32, #tpu.memory_space<vmem>> -> memref<128xi32, #tpu.memory_space<vmem>>
      %dma_start3A_249 = arith.constant 0 : i32
      %dma_start3A_250 = arith.constant 0 : i32
      %dma_start3A_251 = tpu.memref_slice %arg2[%dma_start3A_249, %dma_start3A_250] : memref<1032192x32xf32, #tpu.memory_space<hbm>> -> memref<1032192x32xf32, #tpu.memory_space<hbm>>
      tpu.enqueue_indirect_dma source(%dma_start3A_251 : memref<1032192x32xf32, #tpu.memory_space<hbm>>) target(%dma_start3A_245 : memref<128x32xf32, #tpu.memory_space<vmem>>) offsets(%dma_start3A_248 : memref<128xi32, #tpu.memory_space<vmem>>) semaphore(%arg10 : memref<!tpu.dma_semaphore, #tpu.memory_space<semaphore_mem>>)
      %mul3A_252 = arith.constant 4 : i32
      %mul3A_253 = arith.muli %add3A_233, %mul3A_252 : i32
      %add3A_254 = arith.constant 1 : i32
      %add3A_255 = arith.addi %mul3A_253, %add3A_254 : i32
      %dma_start3A_256 = arith.constant 128 : i32
      %dma_start3A_257 = arith.constant 0 : i32
      %dma_start3A_258 = tpu.memref_slice %arg9[%dma_start3A_256, %dma_start3A_257] : memref<512x32xf32, #tpu.memory_space<vmem>> -> memref<128x32xf32, #tpu.memory_space<vmem>>
      %dma_start3A_259 = arith.constant 0 : i32
      %dma_start3A_260 = tpu.memref_slice %arg6[%add3A_255, %dma_start3A_259] : memref<104x128xi32, #tpu.memory_space<vmem>> -> memref<1x128xi32, #tpu.memory_space<vmem>>
      %dma_start3A_261 = tpu.memref_squeeze %dma_start3A_260 : memref<1x128xi32, #tpu.memory_space<vmem>> -> memref<128xi32, #tpu.memory_space<vmem>>
      %dma_start3A_262 = arith.constant 0 : i32
      %dma_start3A_263 = arith.constant 0 : i32
      %dma_start3A_264 = tpu.memref_slice %arg2[%dma_start3A_262, %dma_start3A_263] : memref<1032192x32xf32, #tpu.memory_space<hbm>> -> memref<1032192x32xf32, #tpu.memory_space<hbm>>
      tpu.enqueue_indirect_dma source(%dma_start3A_264 : memref<1032192x32xf32, #tpu.memory_space<hbm>>) target(%dma_start3A_258 : memref<128x32xf32, #tpu.memory_space<vmem>>) offsets(%dma_start3A_261 : memref<128xi32, #tpu.memory_space<vmem>>) semaphore(%arg10 : memref<!tpu.dma_semaphore, #tpu.memory_space<semaphore_mem>>)
      %mul3A_265 = arith.constant 4 : i32
      %mul3A_266 = arith.muli %add3A_233, %mul3A_265 : i32
      %add3A_267 = arith.constant 2 : i32
      %add3A_268 = arith.addi %mul3A_266, %add3A_267 : i32
      %dma_start3A_269 = arith.constant 256 : i32
      %dma_start3A_270 = arith.constant 0 : i32
      %dma_start3A_271 = tpu.memref_slice %arg9[%dma_start3A_269, %dma_start3A_270] : memref<512x32xf32, #tpu.memory_space<vmem>> -> memref<128x32xf32, #tpu.memory_space<vmem>>
      %dma_start3A_272 = arith.constant 0 : i32
      %dma_start3A_273 = tpu.memref_slice %arg6[%add3A_268, %dma_start3A_272] : memref<104x128xi32, #tpu.memory_space<vmem>> -> memref<1x128xi32, #tpu.memory_space<vmem>>
      %dma_start3A_274 = tpu.memref_squeeze %dma_start3A_273 : memref<1x128xi32, #tpu.memory_space<vmem>> -> memref<128xi32, #tpu.memory_space<vmem>>
      %dma_start3A_275 = arith.constant 0 : i32
      %dma_start3A_276 = arith.constant 0 : i32
      %dma_start3A_277 = tpu.memref_slice %arg2[%dma_start3A_275, %dma_start3A_276] : memref<1032192x32xf32, #tpu.memory_space<hbm>> -> memref<1032192x32xf32, #tpu.memory_space<hbm>>
      tpu.enqueue_indirect_dma source(%dma_start3A_277 : memref<1032192x32xf32, #tpu.memory_space<hbm>>) target(%dma_start3A_271 : memref<128x32xf32, #tpu.memory_space<vmem>>) offsets(%dma_start3A_274 : memref<128xi32, #tpu.memory_space<vmem>>) semaphore(%arg10 : memref<!tpu.dma_semaphore, #tpu.memory_space<semaphore_mem>>)
      %mul3A_278 = arith.constant 4 : i32
      %mul3A_279 = arith.muli %add3A_233, %mul3A_278 : i32
      %add3A_280 = arith.constant 3 : i32
      %add3A_281 = arith.addi %mul3A_279, %add3A_280 : i32
      %dma_start3A_282 = arith.constant 384 : i32
      %dma_start3A_283 = arith.constant 0 : i32
      %dma_start3A_284 = tpu.memref_slice %arg9[%dma_start3A_282, %dma_start3A_283] : memref<512x32xf32, #tpu.memory_space<vmem>> -> memref<128x32xf32, #tpu.memory_space<vmem>>
      %dma_start3A_285 = arith.constant 0 : i32
      %dma_start3A_286 = tpu.memref_slice %arg6[%add3A_281, %dma_start3A_285] : memref<104x128xi32, #tpu.memory_space<vmem>> -> memref<1x128xi32, #tpu.memory_space<vmem>>
      %dma_start3A_287 = tpu.memref_squeeze %dma_start3A_286 : memref<1x128xi32, #tpu.memory_space<vmem>> -> memref<128xi32, #tpu.memory_space<vmem>>
      %dma_start3A_288 = arith.constant 0 : i32
      %dma_start3A_289 = arith.constant 0 : i32
      %dma_start3A_290 = tpu.memref_slice %arg2[%dma_start3A_288, %dma_start3A_289] : memref<1032192x32xf32, #tpu.memory_space<hbm>> -> memref<1032192x32xf32, #tpu.memory_space<hbm>>
      tpu.enqueue_indirect_dma source(%dma_start3A_290 : memref<1032192x32xf32, #tpu.memory_space<hbm>>) target(%dma_start3A_284 : memref<128x32xf32, #tpu.memory_space<vmem>>) offsets(%dma_start3A_287 : memref<128xi32, #tpu.memory_space<vmem>>) semaphore(%arg10 : memref<!tpu.dma_semaphore, #tpu.memory_space<semaphore_mem>>)
      %dma_wait3A_291 = arith.constant 0 : i32
      %dma_wait3A_292 = arith.constant 0 : i32
      %dma_wait3A_293 = tpu.memref_slice %arg9[%dma_wait3A_291, %dma_wait3A_292] : memref<512x32xf32, #tpu.memory_space<vmem>> -> memref<128x32xf32, #tpu.memory_space<vmem>>
      %dma_wait3A_294 = arith.constant 0 : i32
      %dma_wait3A_295 = tpu.memref_slice %arg6[%add3A_242, %dma_wait3A_294] : memref<104x128xi32, #tpu.memory_space<vmem>> -> memref<1x128xi32, #tpu.memory_space<vmem>>
      %dma_wait3A_296 = tpu.memref_squeeze %dma_wait3A_295 : memref<1x128xi32, #tpu.memory_space<vmem>> -> memref<128xi32, #tpu.memory_space<vmem>>
      %dma_wait3A_297 = arith.constant 0 : i32
      %dma_wait3A_298 = arith.constant 0 : i32
      %dma_wait3A_299 = tpu.memref_slice %arg2[%dma_wait3A_297, %dma_wait3A_298] : memref<1032192x32xf32, #tpu.memory_space<hbm>> -> memref<1032192x32xf32, #tpu.memory_space<hbm>>
      tpu.wait_indirect_dma semaphore(%arg10 : memref<!tpu.dma_semaphore, #tpu.memory_space<semaphore_mem>>) src(%dma_wait3A_299 : memref<1032192x32xf32, #tpu.memory_space<hbm>>) dst(%dma_wait3A_293 : memref<128x32xf32, #tpu.memory_space<vmem>>)
      %dma_wait3A_300 = arith.constant 128 : i32
      %dma_wait3A_301 = arith.constant 0 : i32
      %dma_wait3A_302 = tpu.memref_slice %arg9[%dma_wait3A_300, %dma_wait3A_301] : memref<512x32xf32, #tpu.memory_space<vmem>> -> memref<128x32xf32, #tpu.memory_space<vmem>>
      %dma_wait3A_303 = arith.constant 0 : i32
      %dma_wait3A_304 = tpu.memref_slice %arg6[%add3A_255, %dma_wait3A_303] : memref<104x128xi32, #tpu.memory_space<vmem>> -> memref<1x128xi32, #tpu.memory_space<vmem>>
      %dma_wait3A_305 = tpu.memref_squeeze %dma_wait3A_304 : memref<1x128xi32, #tpu.memory_space<vmem>> -> memref<128xi32, #tpu.memory_space<vmem>>
      %dma_wait3A_306 = arith.constant 0 : i32
      %dma_wait3A_307 = arith.constant 0 : i32
      %dma_wait3A_308 = tpu.memref_slice %arg2[%dma_wait3A_306, %dma_wait3A_307] : memref<1032192x32xf32, #tpu.memory_space<hbm>> -> memref<1032192x32xf32, #tpu.memory_space<hbm>>
      tpu.wait_indirect_dma semaphore(%arg10 : memref<!tpu.dma_semaphore, #tpu.memory_space<semaphore_mem>>) src(%dma_wait3A_308 : memref<1032192x32xf32, #tpu.memory_space<hbm>>) dst(%dma_wait3A_302 : memref<128x32xf32, #tpu.memory_space<vmem>>)
      %dma_wait3A_309 = arith.constant 256 : i32
      %dma_wait3A_310 = arith.constant 0 : i32
      %dma_wait3A_311 = tpu.memref_slice %arg9[%dma_wait3A_309, %dma_wait3A_310] : memref<512x32xf32, #tpu.memory_space<vmem>> -> memref<128x32xf32, #tpu.memory_space<vmem>>
      %dma_wait3A_312 = arith.constant 0 : i32
      %dma_wait3A_313 = tpu.memref_slice %arg6[%add3A_268, %dma_wait3A_312] : memref<104x128xi32, #tpu.memory_space<vmem>> -> memref<1x128xi32, #tpu.memory_space<vmem>>
      %dma_wait3A_314 = tpu.memref_squeeze %dma_wait3A_313 : memref<1x128xi32, #tpu.memory_space<vmem>> -> memref<128xi32, #tpu.memory_space<vmem>>
      %dma_wait3A_315 = arith.constant 0 : i32
      %dma_wait3A_316 = arith.constant 0 : i32
      %dma_wait3A_317 = tpu.memref_slice %arg2[%dma_wait3A_315, %dma_wait3A_316] : memref<1032192x32xf32, #tpu.memory_space<hbm>> -> memref<1032192x32xf32, #tpu.memory_space<hbm>>
      tpu.wait_indirect_dma semaphore(%arg10 : memref<!tpu.dma_semaphore, #tpu.memory_space<semaphore_mem>>) src(%dma_wait3A_317 : memref<1032192x32xf32, #tpu.memory_space<hbm>>) dst(%dma_wait3A_311 : memref<128x32xf32, #tpu.memory_space<vmem>>)
      %dma_wait3A_318 = arith.constant 384 : i32
      %dma_wait3A_319 = arith.constant 0 : i32
      %dma_wait3A_320 = tpu.memref_slice %arg9[%dma_wait3A_318, %dma_wait3A_319] : memref<512x32xf32, #tpu.memory_space<vmem>> -> memref<128x32xf32, #tpu.memory_space<vmem>>
      %dma_wait3A_321 = arith.constant 0 : i32
      %dma_wait3A_322 = tpu.memref_slice %arg6[%add3A_281, %dma_wait3A_321] : memref<104x128xi32, #tpu.memory_space<vmem>> -> memref<1x128xi32, #tpu.memory_space<vmem>>
      %dma_wait3A_323 = tpu.memref_squeeze %dma_wait3A_322 : memref<1x128xi32, #tpu.memory_space<vmem>> -> memref<128xi32, #tpu.memory_space<vmem>>
      %dma_wait3A_324 = arith.constant 0 : i32
      %dma_wait3A_325 = arith.constant 0 : i32
      %dma_wait3A_326 = tpu.memref_slice %arg2[%dma_wait3A_324, %dma_wait3A_325] : memref<1032192x32xf32, #tpu.memory_space<hbm>> -> memref<1032192x32xf32, #tpu.memory_space<hbm>>
      tpu.wait_indirect_dma semaphore(%arg10 : memref<!tpu.dma_semaphore, #tpu.memory_space<semaphore_mem>>) src(%dma_wait3A_326 : memref<1032192x32xf32, #tpu.memory_space<hbm>>) dst(%dma_wait3A_320 : memref<128x32xf32, #tpu.memory_space<vmem>>)
      %mul3A_327 = arith.constant 4 : i32
      %mul3A_328 = arith.muli %add3A_233, %mul3A_327 : i32
      %add3A_329 = arith.constant 0 : i32
      %add3A_330 = arith.addi %mul3A_328, %add3A_329 : i32
      %dma_start3A_331 = arith.constant 0 : i32
      %dma_start3A_332 = arith.constant 0 : i32
      %dma_start3A_333 = tpu.memref_slice %arg9[%dma_start3A_331, %dma_start3A_332] : memref<512x32xf32, #tpu.memory_space<vmem>> -> memref<128x32xf32, #tpu.memory_space<vmem>>
      %dma_start3A_334 = arith.constant 0 : i32
      %dma_start3A_335 = tpu.memref_slice %arg7[%add3A_330, %dma_start3A_334] : memref<104x128xi32, #tpu.memory_space<vmem>> -> memref<1x128xi32, #tpu.memory_space<vmem>>
      %dma_start3A_336 = tpu.memref_squeeze %dma_start3A_335 : memref<1x128xi32, #tpu.memory_space<vmem>> -> memref<128xi32, #tpu.memory_space<vmem>>
      %dma_start3A_337 = arith.constant 0 : i32
      %dma_start3A_338 = arith.constant 0 : i32
      %dma_start3A_339 = tpu.memref_slice %arg5[%dma_start3A_337, %dma_start3A_338] : memref<2097152x32xf32, #tpu.memory_space<hbm>> -> memref<2097152x32xf32, #tpu.memory_space<hbm>>
      tpu.enqueue_indirect_dma source(%dma_start3A_333 : memref<128x32xf32, #tpu.memory_space<vmem>>) target(%dma_start3A_339 : memref<2097152x32xf32, #tpu.memory_space<hbm>>) offsets(%dma_start3A_336 : memref<128xi32, #tpu.memory_space<vmem>>) semaphore(%arg12 : memref<!tpu.dma_semaphore, #tpu.memory_space<semaphore_mem>>)
      %mul3A_340 = arith.constant 4 : i32
      %mul3A_341 = arith.muli %add3A_233, %mul3A_340 : i32
      %add3A_342 = arith.constant 1 : i32
      %add3A_343 = arith.addi %mul3A_341, %add3A_342 : i32
      %dma_start3A_344 = arith.constant 128 : i32
      %dma_start3A_345 = arith.constant 0 : i32
      %dma_start3A_346 = tpu.memref_slice %arg9[%dma_start3A_344, %dma_start3A_345] : memref<512x32xf32, #tpu.memory_space<vmem>> -> memref<128x32xf32, #tpu.memory_space<vmem>>
      %dma_start3A_347 = arith.constant 0 : i32
      %dma_start3A_348 = tpu.memref_slice %arg7[%add3A_343, %dma_start3A_347] : memref<104x128xi32, #tpu.memory_space<vmem>> -> memref<1x128xi32, #tpu.memory_space<vmem>>
      %dma_start3A_349 = tpu.memref_squeeze %dma_start3A_348 : memref<1x128xi32, #tpu.memory_space<vmem>> -> memref<128xi32, #tpu.memory_space<vmem>>
      %dma_start3A_350 = arith.constant 0 : i32
      %dma_start3A_351 = arith.constant 0 : i32
      %dma_start3A_352 = tpu.memref_slice %arg5[%dma_start3A_350, %dma_start3A_351] : memref<2097152x32xf32, #tpu.memory_space<hbm>> -> memref<2097152x32xf32, #tpu.memory_space<hbm>>
      tpu.enqueue_indirect_dma source(%dma_start3A_346 : memref<128x32xf32, #tpu.memory_space<vmem>>) target(%dma_start3A_352 : memref<2097152x32xf32, #tpu.memory_space<hbm>>) offsets(%dma_start3A_349 : memref<128xi32, #tpu.memory_space<vmem>>) semaphore(%arg12 : memref<!tpu.dma_semaphore, #tpu.memory_space<semaphore_mem>>)
      %mul3A_353 = arith.constant 4 : i32
      %mul3A_354 = arith.muli %add3A_233, %mul3A_353 : i32
      %add3A_355 = arith.constant 2 : i32
      %add3A_356 = arith.addi %mul3A_354, %add3A_355 : i32
      %dma_start3A_357 = arith.constant 256 : i32
      %dma_start3A_358 = arith.constant 0 : i32
      %dma_start3A_359 = tpu.memref_slice %arg9[%dma_start3A_357, %dma_start3A_358] : memref<512x32xf32, #tpu.memory_space<vmem>> -> memref<128x32xf32, #tpu.memory_space<vmem>>
      %dma_start3A_360 = arith.constant 0 : i32
      %dma_start3A_361 = tpu.memref_slice %arg7[%add3A_356, %dma_start3A_360] : memref<104x128xi32, #tpu.memory_space<vmem>> -> memref<1x128xi32, #tpu.memory_space<vmem>>
      %dma_start3A_362 = tpu.memref_squeeze %dma_start3A_361 : memref<1x128xi32, #tpu.memory_space<vmem>> -> memref<128xi32, #tpu.memory_space<vmem>>
      %dma_start3A_363 = arith.constant 0 : i32
      %dma_start3A_364 = arith.constant 0 : i32
      %dma_start3A_365 = tpu.memref_slice %arg5[%dma_start3A_363, %dma_start3A_364] : memref<2097152x32xf32, #tpu.memory_space<hbm>> -> memref<2097152x32xf32, #tpu.memory_space<hbm>>
      tpu.enqueue_indirect_dma source(%dma_start3A_359 : memref<128x32xf32, #tpu.memory_space<vmem>>) target(%dma_start3A_365 : memref<2097152x32xf32, #tpu.memory_space<hbm>>) offsets(%dma_start3A_362 : memref<128xi32, #tpu.memory_space<vmem>>) semaphore(%arg12 : memref<!tpu.dma_semaphore, #tpu.memory_space<semaphore_mem>>)
      %mul3A_366 = arith.constant 4 : i32
      %mul3A_367 = arith.muli %add3A_233, %mul3A_366 : i32
      %add3A_368 = arith.constant 3 : i32
      %add3A_369 = arith.addi %mul3A_367, %add3A_368 : i32
      %dma_start3A_370 = arith.constant 384 : i32
      %dma_start3A_371 = arith.constant 0 : i32
      %dma_start3A_372 = tpu.memref_slice %arg9[%dma_start3A_370, %dma_start3A_371] : memref<512x32xf32, #tpu.memory_space<vmem>> -> memref<128x32xf32, #tpu.memory_space<vmem>>
      %dma_start3A_373 = arith.constant 0 : i32
      %dma_start3A_374 = tpu.memref_slice %arg7[%add3A_369, %dma_start3A_373] : memref<104x128xi32, #tpu.memory_space<vmem>> -> memref<1x128xi32, #tpu.memory_space<vmem>>
      %dma_start3A_375 = tpu.memref_squeeze %dma_start3A_374 : memref<1x128xi32, #tpu.memory_space<vmem>> -> memref<128xi32, #tpu.memory_space<vmem>>
      %dma_start3A_376 = arith.constant 0 : i32
      %dma_start3A_377 = arith.constant 0 : i32
      %dma_start3A_378 = tpu.memref_slice %arg5[%dma_start3A_376, %dma_start3A_377] : memref<2097152x32xf32, #tpu.memory_space<hbm>> -> memref<2097152x32xf32, #tpu.memory_space<hbm>>
      tpu.enqueue_indirect_dma source(%dma_start3A_372 : memref<128x32xf32, #tpu.memory_space<vmem>>) target(%dma_start3A_378 : memref<2097152x32xf32, #tpu.memory_space<hbm>>) offsets(%dma_start3A_375 : memref<128xi32, #tpu.memory_space<vmem>>) semaphore(%arg12 : memref<!tpu.dma_semaphore, #tpu.memory_space<semaphore_mem>>)
    }
    %scan3A_4 = arith.constant 13 : i32
    %dma_wait3A = arith.constant 0 : i32
    %dma_wait3A_5 = arith.constant 0 : i32
    %dma_wait3A_6 = arith.constant 0 : i32
    %dma_wait3A_7 = tpu.memref_slice %arg8[%dma_wait3A_5, %dma_wait3A_6] : memref<512x32xf32, #tpu.memory_space<vmem>> -> memref<128x32xf32, #tpu.memory_space<vmem>>
    %dma_wait3A_8 = arith.constant 0 : i32
    %dma_wait3A_9 = tpu.memref_slice %arg7[%dma_wait3A, %dma_wait3A_8] : memref<104x128xi32, #tpu.memory_space<vmem>> -> memref<1x128xi32, #tpu.memory_space<vmem>>
    %dma_wait3A_10 = tpu.memref_squeeze %dma_wait3A_9 : memref<1x128xi32, #tpu.memory_space<vmem>> -> memref<128xi32, #tpu.memory_space<vmem>>
    %dma_wait3A_11 = arith.constant 0 : i32
    %dma_wait3A_12 = arith.constant 0 : i32
    %dma_wait3A_13 = tpu.memref_slice %arg5[%dma_wait3A_11, %dma_wait3A_12] : memref<2097152x32xf32, #tpu.memory_space<hbm>> -> memref<2097152x32xf32, #tpu.memory_space<hbm>>
    tpu.wait_indirect_dma semaphore(%arg11 : memref<!tpu.dma_semaphore, #tpu.memory_space<semaphore_mem>>) src(%dma_wait3A_7 : memref<128x32xf32, #tpu.memory_space<vmem>>) dst(%dma_wait3A_13 : memref<2097152x32xf32, #tpu.memory_space<hbm>>)
    %dma_wait3A_14 = arith.constant 0 : i32
    %dma_wait3A_15 = arith.constant 128 : i32
    %dma_wait3A_16 = arith.constant 0 : i32
    %dma_wait3A_17 = tpu.memref_slice %arg8[%dma_wait3A_15, %dma_wait3A_16] : memref<512x32xf32, #tpu.memory_space<vmem>> -> memref<128x32xf32, #tpu.memory_space<vmem>>
    %dma_wait3A_18 = arith.constant 0 : i32
    %dma_wait3A_19 = tpu.memref_slice %arg7[%dma_wait3A_14, %dma_wait3A_18] : memref<104x128xi32, #tpu.memory_space<vmem>> -> memref<1x128xi32, #tpu.memory_space<vmem>>
    %dma_wait3A_20 = tpu.memref_squeeze %dma_wait3A_19 : memref<1x128xi32, #tpu.memory_space<vmem>> -> memref<128xi32, #tpu.memory_space<vmem>>
    %dma_wait3A_21 = arith.constant 0 : i32
    %dma_wait3A_22 = arith.constant 0 : i32
    %dma_wait3A_23 = tpu.memref_slice %arg5[%dma_wait3A_21, %dma_wait3A_22] : memref<2097152x32xf32, #tpu.memory_space<hbm>> -> memref<2097152x32xf32, #tpu.memory_space<hbm>>
    tpu.wait_indirect_dma semaphore(%arg11 : memref<!tpu.dma_semaphore, #tpu.memory_space<semaphore_mem>>) src(%dma_wait3A_17 : memref<128x32xf32, #tpu.memory_space<vmem>>) dst(%dma_wait3A_23 : memref<2097152x32xf32, #tpu.memory_space<hbm>>)
    %dma_wait3A_24 = arith.constant 0 : i32
    %dma_wait3A_25 = arith.constant 256 : i32
    %dma_wait3A_26 = arith.constant 0 : i32
    %dma_wait3A_27 = tpu.memref_slice %arg8[%dma_wait3A_25, %dma_wait3A_26] : memref<512x32xf32, #tpu.memory_space<vmem>> -> memref<128x32xf32, #tpu.memory_space<vmem>>
    %dma_wait3A_28 = arith.constant 0 : i32
    %dma_wait3A_29 = tpu.memref_slice %arg7[%dma_wait3A_24, %dma_wait3A_28] : memref<104x128xi32, #tpu.memory_space<vmem>> -> memref<1x128xi32, #tpu.memory_space<vmem>>
    %dma_wait3A_30 = tpu.memref_squeeze %dma_wait3A_29 : memref<1x128xi32, #tpu.memory_space<vmem>> -> memref<128xi32, #tpu.memory_space<vmem>>
    %dma_wait3A_31 = arith.constant 0 : i32
    %dma_wait3A_32 = arith.constant 0 : i32
    %dma_wait3A_33 = tpu.memref_slice %arg5[%dma_wait3A_31, %dma_wait3A_32] : memref<2097152x32xf32, #tpu.memory_space<hbm>> -> memref<2097152x32xf32, #tpu.memory_space<hbm>>
    tpu.wait_indirect_dma semaphore(%arg11 : memref<!tpu.dma_semaphore, #tpu.memory_space<semaphore_mem>>) src(%dma_wait3A_27 : memref<128x32xf32, #tpu.memory_space<vmem>>) dst(%dma_wait3A_33 : memref<2097152x32xf32, #tpu.memory_space<hbm>>)
    %dma_wait3A_34 = arith.constant 0 : i32
    %dma_wait3A_35 = arith.constant 384 : i32
    %dma_wait3A_36 = arith.constant 0 : i32
    %dma_wait3A_37 = tpu.memref_slice %arg8[%dma_wait3A_35, %dma_wait3A_36] : memref<512x32xf32, #tpu.memory_space<vmem>> -> memref<128x32xf32, #tpu.memory_space<vmem>>
    %dma_wait3A_38 = arith.constant 0 : i32
    %dma_wait3A_39 = tpu.memref_slice %arg7[%dma_wait3A_34, %dma_wait3A_38] : memref<104x128xi32, #tpu.memory_space<vmem>> -> memref<1x128xi32, #tpu.memory_space<vmem>>
    %dma_wait3A_40 = tpu.memref_squeeze %dma_wait3A_39 : memref<1x128xi32, #tpu.memory_space<vmem>> -> memref<128xi32, #tpu.memory_space<vmem>>
    %dma_wait3A_41 = arith.constant 0 : i32
    %dma_wait3A_42 = arith.constant 0 : i32
    %dma_wait3A_43 = tpu.memref_slice %arg5[%dma_wait3A_41, %dma_wait3A_42] : memref<2097152x32xf32, #tpu.memory_space<hbm>> -> memref<2097152x32xf32, #tpu.memory_space<hbm>>
    tpu.wait_indirect_dma semaphore(%arg11 : memref<!tpu.dma_semaphore, #tpu.memory_space<semaphore_mem>>) src(%dma_wait3A_37 : memref<128x32xf32, #tpu.memory_space<vmem>>) dst(%dma_wait3A_43 : memref<2097152x32xf32, #tpu.memory_space<hbm>>)
    %dma_wait3A_44 = arith.constant 0 : i32
    %dma_wait3A_45 = arith.constant 0 : i32
    %dma_wait3A_46 = arith.constant 0 : i32
    %dma_wait3A_47 = tpu.memref_slice %arg9[%dma_wait3A_45, %dma_wait3A_46] : memref<512x32xf32, #tpu.memory_space<vmem>> -> memref<128x32xf32, #tpu.memory_space<vmem>>
    %dma_wait3A_48 = arith.constant 0 : i32
    %dma_wait3A_49 = tpu.memref_slice %arg7[%dma_wait3A_44, %dma_wait3A_48] : memref<104x128xi32, #tpu.memory_space<vmem>> -> memref<1x128xi32, #tpu.memory_space<vmem>>
    %dma_wait3A_50 = tpu.memref_squeeze %dma_wait3A_49 : memref<1x128xi32, #tpu.memory_space<vmem>> -> memref<128xi32, #tpu.memory_space<vmem>>
    %dma_wait3A_51 = arith.constant 0 : i32
    %dma_wait3A_52 = arith.constant 0 : i32
    %dma_wait3A_53 = tpu.memref_slice %arg5[%dma_wait3A_51, %dma_wait3A_52] : memref<2097152x32xf32, #tpu.memory_space<hbm>> -> memref<2097152x32xf32, #tpu.memory_space<hbm>>
    tpu.wait_indirect_dma semaphore(%arg12 : memref<!tpu.dma_semaphore, #tpu.memory_space<semaphore_mem>>) src(%dma_wait3A_47 : memref<128x32xf32, #tpu.memory_space<vmem>>) dst(%dma_wait3A_53 : memref<2097152x32xf32, #tpu.memory_space<hbm>>)
    %dma_wait3A_54 = arith.constant 0 : i32
    %dma_wait3A_55 = arith.constant 128 : i32
    %dma_wait3A_56 = arith.constant 0 : i32
    %dma_wait3A_57 = tpu.memref_slice %arg9[%dma_wait3A_55, %dma_wait3A_56] : memref<512x32xf32, #tpu.memory_space<vmem>> -> memref<128x32xf32, #tpu.memory_space<vmem>>
    %dma_wait3A_58 = arith.constant 0 : i32
    %dma_wait3A_59 = tpu.memref_slice %arg7[%dma_wait3A_54, %dma_wait3A_58] : memref<104x128xi32, #tpu.memory_space<vmem>> -> memref<1x128xi32, #tpu.memory_space<vmem>>
    %dma_wait3A_60 = tpu.memref_squeeze %dma_wait3A_59 : memref<1x128xi32, #tpu.memory_space<vmem>> -> memref<128xi32, #tpu.memory_space<vmem>>
    %dma_wait3A_61 = arith.constant 0 : i32
    %dma_wait3A_62 = arith.constant 0 : i32
    %dma_wait3A_63 = tpu.memref_slice %arg5[%dma_wait3A_61, %dma_wait3A_62] : memref<2097152x32xf32, #tpu.memory_space<hbm>> -> memref<2097152x32xf32, #tpu.memory_space<hbm>>
    tpu.wait_indirect_dma semaphore(%arg12 : memref<!tpu.dma_semaphore, #tpu.memory_space<semaphore_mem>>) src(%dma_wait3A_57 : memref<128x32xf32, #tpu.memory_space<vmem>>) dst(%dma_wait3A_63 : memref<2097152x32xf32, #tpu.memory_space<hbm>>)
    %dma_wait3A_64 = arith.constant 0 : i32
    %dma_wait3A_65 = arith.constant 256 : i32
    %dma_wait3A_66 = arith.constant 0 : i32
    %dma_wait3A_67 = tpu.memref_slice %arg9[%dma_wait3A_65, %dma_wait3A_66] : memref<512x32xf32, #tpu.memory_space<vmem>> -> memref<128x32xf32, #tpu.memory_space<vmem>>
    %dma_wait3A_68 = arith.constant 0 : i32
    %dma_wait3A_69 = tpu.memref_slice %arg7[%dma_wait3A_64, %dma_wait3A_68] : memref<104x128xi32, #tpu.memory_space<vmem>> -> memref<1x128xi32, #tpu.memory_space<vmem>>
    %dma_wait3A_70 = tpu.memref_squeeze %dma_wait3A_69 : memref<1x128xi32, #tpu.memory_space<vmem>> -> memref<128xi32, #tpu.memory_space<vmem>>
    %dma_wait3A_71 = arith.constant 0 : i32
    %dma_wait3A_72 = arith.constant 0 : i32
    %dma_wait3A_73 = tpu.memref_slice %arg5[%dma_wait3A_71, %dma_wait3A_72] : memref<2097152x32xf32, #tpu.memory_space<hbm>> -> memref<2097152x32xf32, #tpu.memory_space<hbm>>
    tpu.wait_indirect_dma semaphore(%arg12 : memref<!tpu.dma_semaphore, #tpu.memory_space<semaphore_mem>>) src(%dma_wait3A_67 : memref<128x32xf32, #tpu.memory_space<vmem>>) dst(%dma_wait3A_73 : memref<2097152x32xf32, #tpu.memory_space<hbm>>)
    %dma_wait3A_74 = arith.constant 0 : i32
    %dma_wait3A_75 = arith.constant 384 : i32
    %dma_wait3A_76 = arith.constant 0 : i32
    %dma_wait3A_77 = tpu.memref_slice %arg9[%dma_wait3A_75, %dma_wait3A_76] : memref<512x32xf32, #tpu.memory_space<vmem>> -> memref<128x32xf32, #tpu.memory_space<vmem>>
    %dma_wait3A_78 = arith.constant 0 : i32
    %dma_wait3A_79 = tpu.memref_slice %arg7[%dma_wait3A_74, %dma_wait3A_78] : memref<104x128xi32, #tpu.memory_space<vmem>> -> memref<1x128xi32, #tpu.memory_space<vmem>>
    %dma_wait3A_80 = tpu.memref_squeeze %dma_wait3A_79 : memref<1x128xi32, #tpu.memory_space<vmem>> -> memref<128xi32, #tpu.memory_space<vmem>>
    %dma_wait3A_81 = arith.constant 0 : i32
    %dma_wait3A_82 = arith.constant 0 : i32
    %dma_wait3A_83 = tpu.memref_slice %arg5[%dma_wait3A_81, %dma_wait3A_82] : memref<2097152x32xf32, #tpu.memory_space<hbm>> -> memref<2097152x32xf32, #tpu.memory_space<hbm>>
    tpu.wait_indirect_dma semaphore(%arg12 : memref<!tpu.dma_semaphore, #tpu.memory_space<semaphore_mem>>) src(%dma_wait3A_77 : memref<128x32xf32, #tpu.memory_space<vmem>>) dst(%dma_wait3A_83 : memref<2097152x32xf32, #tpu.memory_space<hbm>>)
    return
  }
}

module attributes {stable_mosaic.version = 14 : i64} {
  func.func @_absmean_body(%arg0: i32, %arg1: memref<32x65536xf32, #tpu.memory_space<vmem>>, %arg2: memref<1x1xf32, #tpu.memory_space<smem>>, %arg3: memref<8x128xf32, #tpu.memory_space<vmem>>) attributes {dimension_semantics = [#tpu.dimension_semantics<arbitrary>], iteration_bounds = array<i64: 16>, scalar_prefetch = 0 : i64, scratch_operands = 1 : i64, tpu.core_type = #tpu.core_type<tc>, window_params = [{transform_indices = @transform_0, window_bounds = array<i64: 32, 65536>}, {transform_indices = @transform_1, window_bounds = array<i64: 1, 1>}]} {
    %eq3A = arith.constant 0 : i32
    %eq3A_0 = arith.cmpi eq, %arg0, %eq3A : i32
    %convert_element_type3A = arith.extui %eq3A_0 : i1 to i32
    %cond3A = arith.constant 0 : i32
    %cond3A_1 = arith.cmpi ne, %convert_element_type3A, %cond3A : i32
    scf.if %cond3A_1 {
      %broadcast_in_dim3A_20 = arith.constant 0.000000e+00 : f32
      %broadcast_in_dim3A_21 = vector.broadcast %broadcast_in_dim3A_20 : f32 to vector<8x128xf32>
      %swap3A_22 = arith.constant 0 : index
      %swap3A_23 = arith.constant 0 : index
      %swap3A_24 = vector.load %arg3[%swap3A_22, %swap3A_23] : memref<8x128xf32, #tpu.memory_space<vmem>>, vector<8x128xf32>
      tpu.vector_store %arg3[%swap3A_22, %swap3A_23], %broadcast_in_dim3A_21 {strides = array<i32>} : memref<8x128xf32, #tpu.memory_space<vmem>>, vector<8x128xf32>,
    } else {
    }
    %get3A = arith.constant 0 : index
    %get3A_2 = arith.constant 0 : index
    %get3A_3 = vector.load %arg1[%get3A, %get3A_2] : memref<32x65536xf32, #tpu.memory_space<vmem>>, vector<32x65536xf32>
    %abs3A = math.absf %get3A_3 : vector<32x65536xf32>
    %mul3A = arith.constant 65536 : i32
    %mul3A_4 = arith.muli %arg0, %mul3A : i32
    %iota3A = tpu.iota {dimensions = array<i32: 1>} : vector<32x65536xi32>
    %add3A = vector.broadcast %mul3A_4 : i32 to vector<32x65536xi32>
    %add3A_5 = arith.addi %add3A, %iota3A : vector<32x65536xi32>
    %lt3A = arith.constant 1000000 : i32
    %lt3A_6 = vector.broadcast %lt3A : i32 to vector<32x65536xi32>
    %lt3A_7 = arith.cmpi slt, %add3A_5, %lt3A_6 : vector<32x65536xi32>
    %jit3A = arith.constant 0.000000e+00 : f32
    %broadcast_in_dim3A = vector.broadcast %jit3A : f32 to vector<32x65536xf32>
    %select_n3A = arith.select %lt3A_7, %abs3A, %broadcast_in_dim3A : vector<32x65536xi1>, vector<32x65536xf32>
    %get3A_8 = arith.constant 0 : index
    %get3A_9 = arith.constant 0 : index
    %get3A_10 = vector.load %arg3[%get3A_8, %get3A_9] : memref<8x128xf32, #tpu.memory_space<vmem>>, vector<8x128xf32>
    %reshape3A = vector.shape_cast %select_n3A : vector<32x65536xf32> to vector<2048x8x128xf32>
    %reduce_sum3A = arith.constant dense<0.000000e+00> : vector<8x128xf32>
    %reduce_sum3A_11 = vector.multi_reduction <add>, %reshape3A, %reduce_sum3A [0] : vector<2048x8x128xf32> to vector<8x128xf32>
    %add3A_12 = arith.addf %get3A_10, %reduce_sum3A_11 : vector<8x128xf32>
    %swap3A = arith.constant 0 : index
    %swap3A_13 = arith.constant 0 : index
    %swap3A_14 = vector.load %arg3[%swap3A, %swap3A_13] : memref<8x128xf32, #tpu.memory_space<vmem>>, vector<8x128xf32>
    tpu.vector_store %arg3[%swap3A, %swap3A_13], %add3A_12 {strides = array<i32>} : memref<8x128xf32, #tpu.memory_space<vmem>>, vector<8x128xf32>,
    %eq3A_15 = arith.constant 15 : i32
    %eq3A_16 = arith.cmpi eq, %arg0, %eq3A_15 : i32
    %convert_element_type3A_17 = arith.extui %eq3A_16 : i1 to i32
    %cond3A_18 = arith.constant 0 : i32
    %cond3A_19 = arith.cmpi ne, %convert_element_type3A_17, %cond3A_18 : i32
    scf.if %cond3A_19 {
      %get3A_20 = arith.constant 0 : index
      %get3A_21 = arith.constant 0 : index
      %get3A_22 = vector.load %arg3[%get3A_20, %get3A_21] : memref<8x128xf32, #tpu.memory_space<vmem>>, vector<8x128xf32>
      %reduce_sum3A_23 = vector.shape_cast %get3A_22 : vector<8x128xf32> to vector<1x8x128xf32>
      %reduce_sum3A_24 = arith.constant dense<0.000000e+00> : vector<1xf32>
      %reduce_sum3A_25 = vector.multi_reduction <add>, %reduce_sum3A_23, %reduce_sum3A_24 [1, 2] : vector<1x8x128xf32> to vector<1xf32>
      %reduce_sum3A_26 = vector.shape_cast %reduce_sum3A_25 : vector<1xf32> to vector<1x1x1xf32>
      %reduce_sum3A_27 = vector.extract %reduce_sum3A_26[0, 0, 0] : f32 from vector<1x1x1xf32>
      %swap3A_28 = arith.constant 0 : index
      %swap3A_29 = arith.constant 0 : index
      %swap3A_30 = memref.load %arg2[%swap3A_28, %swap3A_29] : memref<1x1xf32, #tpu.memory_space<smem>>
      memref.store %reduce_sum3A_27, %arg2[%swap3A_28, %swap3A_29] : memref<1x1xf32, #tpu.memory_space<smem>>
    } else {
    }
    return
  }
  func.func @transform_0(%arg0: i32) -> (i32, i32) {
    %c0_i32 = arith.constant 0 : i32
    %c0_i32_0 = arith.constant 0 : i32
    return %c0_i32, %arg0 : i32, i32
  }
  func.func @transform_1(%arg0: i32) -> (i32, i32) {
    %c0_i32 = arith.constant 0 : i32
    %c0_i32_0 = arith.constant 0 : i32
    %c0_i32_1 = arith.constant 0 : i32
    return %c0_i32, %c0_i32_0 : i32, i32
  }
}

module attributes {stable_mosaic.version = 14 : i64} {
  func.func @_transtern_body(%arg0: i32, %arg1: memref<1x1xf32, #tpu.memory_space<smem>>, %arg2: memref<32x8064xf32, #tpu.memory_space<vmem>>, %arg3: memref<32x8064xf32, #tpu.memory_space<vmem>>, %arg4: memref<32x8064xf32, #tpu.memory_space<vmem>>, %arg5: memref<32x8064xf32, #tpu.memory_space<vmem>>, %arg6: memref<64x32xf32, #tpu.memory_space<vmem>>, %arg7: memref<8064x128xf32, #tpu.memory_space<vmem>>) attributes {dimension_semantics = [#tpu.dimension_semantics<arbitrary>], iteration_bounds = array<i64: 32>, scalar_prefetch = 0 : i64, scratch_operands = 0 : i64, tpu.core_type = #tpu.core_type<tc>, window_params = [{transform_indices = @transform_0, window_bounds = array<i64: 1, 1>}, {transform_indices = @transform_1, window_bounds = array<i64: 32, 8064>}, {transform_indices = @transform_2, window_bounds = array<i64: 32, 8064>}, {transform_indices = @transform_3, window_bounds = array<i64: 32, 8064>}, {transform_indices = @transform_4, window_bounds = array<i64: 32, 8064>}, {pipeline_mode = #tpu.pipeline_mode<synchronous>, transform_indices = @transform_5, window_bounds = array<i64: 64, 32>}, {transform_indices = @transform_6, window_bounds = array<i64: 8064, 128>}]} {
    %get3A = arith.constant 0 : index
    %get3A_0 = arith.constant 0 : index
    %get3A_1 = memref.load %arg1[%get3A, %get3A_0] : memref<1x1xf32, #tpu.memory_space<smem>>
    %lt3A = arith.constant 31 : i32
    %lt3A_2 = arith.cmpi slt, %arg0, %lt3A : i32
    %convert_element_type3A = arith.extui %lt3A_2 : i1 to i32
    %cond3A = arith.constant 0 : i32
    %cond3A_3 = arith.cmpi ne, %convert_element_type3A, %cond3A : i32
    scf.if %cond3A_3 {
      %iota3A = tpu.iota {dimensions = array<i32: 0>} : vector<128x128xi32>
      %iota3A_8 = tpu.iota {dimensions = array<i32: 1>} : vector<128x128xi32>
      %eq3A_9 = arith.cmpi eq, %iota3A, %iota3A_8 : vector<128x128xi32>
      %convert_element_type3A_10 = arith.extui %eq3A_9 : vector<128x128xi1> to vector<128x128xi32>
      %convert_element_type3A_11 = arith.sitofp %convert_element_type3A_10 : vector<128x128xi32> to vector<128x128xf32>
      %get3A_12 = arith.constant 0 : index
      %get3A_13 = arith.constant 0 : index
      %get3A_14 = vector.load %arg2[%get3A_12, %get3A_13] : memref<32x8064xf32, #tpu.memory_space<vmem>>, vector<32x8064xf32>
      %abs3A = math.absf %get3A_14 : vector<32x8064xf32>
      %gt3A = vector.broadcast %get3A_1 : f32 to vector<32x8064xf32>
      %gt3A_15 = arith.cmpf ogt, %abs3A, %gt3A : vector<32x8064xf32>
      %sign3A = tpu.bitcast %get3A_14 : vector<32x8064xf32> -> vector<32x8064xi32>
      %sign3A_16 = arith.constant -2147483648 : i32
      %sign3A_17 = vector.broadcast %sign3A_16 : i32 to vector<32x8064xi32>
      %sign3A_18 = arith.andi %sign3A, %sign3A_17 : vector<32x8064xi32>
      %sign3A_19 = arith.constant 1065353216 : i32
      %sign3A_20 = vector.broadcast %sign3A_19 : i32 to vector<32x8064xi32>
      %sign3A_21 = arith.ori %sign3A_20, %sign3A_18 : vector<32x8064xi32>
      %sign3A_22 = tpu.bitcast %sign3A_21 : vector<32x8064xi32> -> vector<32x8064xf32>
      %sign3A_23 = math.absf %get3A_14 : vector<32x8064xf32>
      %sign3A_24 = arith.constant 0.000000e+00 : f32
      %sign3A_25 = vector.broadcast %sign3A_24 : f32 to vector<32x8064xf32>
      %sign3A_26 = arith.cmpf ogt, %sign3A_23, %sign3A_25 : vector<32x8064xf32>
      %sign3A_27 = arith.select %sign3A_26, %sign3A_22, %get3A_14 : vector<32x8064xi1>, vector<32x8064xf32>
      %jit3A = arith.constant 0.000000e+00 : f32
      %broadcast_in_dim3A = vector.broadcast %jit3A : f32 to vector<32x8064xf32>
      %select_n3A = arith.select %gt3A_15, %sign3A_27, %broadcast_in_dim3A : vector<32x8064xi1>, vector<32x8064xf32>
      %get3A_28 = arith.constant 0 : index
      %get3A_29 = arith.constant 0 : index
      %get3A_30 = vector.load %arg3[%get3A_28, %get3A_29] : memref<32x8064xf32, #tpu.memory_space<vmem>>, vector<32x8064xf32>
      %abs3A_31 = math.absf %get3A_30 : vector<32x8064xf32>
      %gt3A_32 = vector.broadcast %get3A_1 : f32 to vector<32x8064xf32>
      %gt3A_33 = arith.cmpf ogt, %abs3A_31, %gt3A_32 : vector<32x8064xf32>
      %sign3A_34 = tpu.bitcast %get3A_30 : vector<32x8064xf32> -> vector<32x8064xi32>
      %sign3A_35 = arith.constant -2147483648 : i32
      %sign3A_36 = vector.broadcast %sign3A_35 : i32 to vector<32x8064xi32>
      %sign3A_37 = arith.andi %sign3A_34, %sign3A_36 : vector<32x8064xi32>
      %sign3A_38 = arith.constant 1065353216 : i32
      %sign3A_39 = vector.broadcast %sign3A_38 : i32 to vector<32x8064xi32>
      %sign3A_40 = arith.ori %sign3A_39, %sign3A_37 : vector<32x8064xi32>
      %sign3A_41 = tpu.bitcast %sign3A_40 : vector<32x8064xi32> -> vector<32x8064xf32>
      %sign3A_42 = math.absf %get3A_30 : vector<32x8064xf32>
      %sign3A_43 = arith.constant 0.000000e+00 : f32
      %sign3A_44 = vector.broadcast %sign3A_43 : f32 to vector<32x8064xf32>
      %sign3A_45 = arith.cmpf ogt, %sign3A_42, %sign3A_44 : vector<32x8064xf32>
      %sign3A_46 = arith.select %sign3A_45, %sign3A_41, %get3A_30 : vector<32x8064xi1>, vector<32x8064xf32>
      %jit3A_47 = arith.constant 0.000000e+00 : f32
      %broadcast_in_dim3A_48 = vector.broadcast %jit3A_47 : f32 to vector<32x8064xf32>
      %select_n3A_49 = arith.select %gt3A_33, %sign3A_46, %broadcast_in_dim3A_48 : vector<32x8064xi1>, vector<32x8064xf32>
      %get3A_50 = arith.constant 0 : index
      %get3A_51 = arith.constant 0 : index
      %get3A_52 = vector.load %arg4[%get3A_50, %get3A_51] : memref<32x8064xf32, #tpu.memory_space<vmem>>, vector<32x8064xf32>
      %abs3A_53 = math.absf %get3A_52 : vector<32x8064xf32>
      %gt3A_54 = vector.broadcast %get3A_1 : f32 to vector<32x8064xf32>
      %gt3A_55 = arith.cmpf ogt, %abs3A_53, %gt3A_54 : vector<32x8064xf32>
      %sign3A_56 = tpu.bitcast %get3A_52 : vector<32x8064xf32> -> vector<32x8064xi32>
      %sign3A_57 = arith.constant -2147483648 : i32
      %sign3A_58 = vector.broadcast %sign3A_57 : i32 to vector<32x8064xi32>
      %sign3A_59 = arith.andi %sign3A_56, %sign3A_58 : vector<32x8064xi32>
      %sign3A_60 = arith.constant 1065353216 : i32
      %sign3A_61 = vector.broadcast %sign3A_60 : i32 to vector<32x8064xi32>
      %sign3A_62 = arith.ori %sign3A_61, %sign3A_59 : vector<32x8064xi32>
      %sign3A_63 = tpu.bitcast %sign3A_62 : vector<32x8064xi32> -> vector<32x8064xf32>
      %sign3A_64 = math.absf %get3A_52 : vector<32x8064xf32>
      %sign3A_65 = arith.constant 0.000000e+00 : f32
      %sign3A_66 = vector.broadcast %sign3A_65 : f32 to vector<32x8064xf32>
      %sign3A_67 = arith.cmpf ogt, %sign3A_64, %sign3A_66 : vector<32x8064xf32>
      %sign3A_68 = arith.select %sign3A_67, %sign3A_63, %get3A_52 : vector<32x8064xi1>, vector<32x8064xf32>
      %jit3A_69 = arith.constant 0.000000e+00 : f32
      %broadcast_in_dim3A_70 = vector.broadcast %jit3A_69 : f32 to vector<32x8064xf32>
      %select_n3A_71 = arith.select %gt3A_55, %sign3A_68, %broadcast_in_dim3A_70 : vector<32x8064xi1>, vector<32x8064xf32>
      %get3A_72 = arith.constant 0 : index
      %get3A_73 = arith.constant 0 : index
      %get3A_74 = vector.load %arg5[%get3A_72, %get3A_73] : memref<32x8064xf32, #tpu.memory_space<vmem>>, vector<32x8064xf32>
      %abs3A_75 = math.absf %get3A_74 : vector<32x8064xf32>
      %gt3A_76 = vector.broadcast %get3A_1 : f32 to vector<32x8064xf32>
      %gt3A_77 = arith.cmpf ogt, %abs3A_75, %gt3A_76 : vector<32x8064xf32>
      %sign3A_78 = tpu.bitcast %get3A_74 : vector<32x8064xf32> -> vector<32x8064xi32>
      %sign3A_79 = arith.constant -2147483648 : i32
      %sign3A_80 = vector.broadcast %sign3A_79 : i32 to vector<32x8064xi32>
      %sign3A_81 = arith.andi %sign3A_78, %sign3A_80 : vector<32x8064xi32>
      %sign3A_82 = arith.constant 1065353216 : i32
      %sign3A_83 = vector.broadcast %sign3A_82 : i32 to vector<32x8064xi32>
      %sign3A_84 = arith.ori %sign3A_83, %sign3A_81 : vector<32x8064xi32>
      %sign3A_85 = tpu.bitcast %sign3A_84 : vector<32x8064xi32> -> vector<32x8064xf32>
      %sign3A_86 = math.absf %get3A_74 : vector<32x8064xf32>
      %sign3A_87 = arith.constant 0.000000e+00 : f32
      %sign3A_88 = vector.broadcast %sign3A_87 : f32 to vector<32x8064xf32>
      %sign3A_89 = arith.cmpf ogt, %sign3A_86, %sign3A_88 : vector<32x8064xf32>
      %sign3A_90 = arith.select %sign3A_89, %sign3A_85, %get3A_74 : vector<32x8064xi1>, vector<32x8064xf32>
      %jit3A_91 = arith.constant 0.000000e+00 : f32
      %broadcast_in_dim3A_92 = vector.broadcast %jit3A_91 : f32 to vector<32x8064xf32>
      %select_n3A_93 = arith.select %gt3A_77, %sign3A_90, %broadcast_in_dim3A_92 : vector<32x8064xi1>, vector<32x8064xf32>
      %concatenate3A = tpu.concatenate %select_n3A, %select_n3A_49, %select_n3A_71, %select_n3A_93 in 0 : vector<32x8064xf32>, vector<32x8064xf32>, vector<32x8064xf32>, vector<32x8064xf32> -> vector<128x8064xf32>
      %dot_general3A = arith.constant dense<0.000000e+00> : vector<8064x128xf32>
      %dot_general3A_94 = tpu.matmul %concatenate3A, %convert_element_type3A_11, %dot_general3A {dimension_numbers = #tpu.dot_dimension_numbers<[0], [0], [1], [1], [0, 1, 1, 1], [], []>, transpose_lhs_hint = false} : vector<128x8064xf32>, vector<128x128xf32>, vector<8064x128xf32> -> vector<8064x128xf32>
      %swap3A = arith.constant 0 : index
      %swap3A_95 = arith.constant 0 : index
      %swap3A_96 = vector.load %arg7[%swap3A, %swap3A_95] : memref<8064x128xf32, #tpu.memory_space<vmem>>, vector<8064x128xf32>
      tpu.vector_store %arg7[%swap3A, %swap3A_95], %dot_general3A_94 {strides = array<i32>} : memref<8064x128xf32, #tpu.memory_space<vmem>>, vector<8064x128xf32>,
    } else {
    }
    %eq3A = arith.constant 31 : i32
    %eq3A_4 = arith.cmpi eq, %arg0, %eq3A : i32
    %convert_element_type3A_5 = arith.extui %eq3A_4 : i1 to i32
    %cond3A_6 = arith.constant 0 : i32
    %cond3A_7 = arith.cmpi ne, %convert_element_type3A_5, %cond3A_6 : i32
    scf.if %cond3A_7 {
      %get3A_8 = arith.constant 0 : index
      %get3A_9 = arith.constant 0 : index
      %get3A_10 = vector.load %arg6[%get3A_8, %get3A_9] : memref<64x32xf32, #tpu.memory_space<vmem>>, vector<16x32xf32>
      %abs3A = math.absf %get3A_10 : vector<16x32xf32>
      %gt3A = vector.broadcast %get3A_1 : f32 to vector<16x32xf32>
      %gt3A_11 = arith.cmpf ogt, %abs3A, %gt3A : vector<16x32xf32>
      %sign3A = tpu.bitcast %get3A_10 : vector<16x32xf32> -> vector<16x32xi32>
      %sign3A_12 = arith.constant -2147483648 : i32
      %sign3A_13 = vector.broadcast %sign3A_12 : i32 to vector<16x32xi32>
      %sign3A_14 = arith.andi %sign3A, %sign3A_13 : vector<16x32xi32>
      %sign3A_15 = arith.constant 1065353216 : i32
      %sign3A_16 = vector.broadcast %sign3A_15 : i32 to vector<16x32xi32>
      %sign3A_17 = arith.ori %sign3A_16, %sign3A_14 : vector<16x32xi32>
      %sign3A_18 = tpu.bitcast %sign3A_17 : vector<16x32xi32> -> vector<16x32xf32>
      %sign3A_19 = math.absf %get3A_10 : vector<16x32xf32>
      %sign3A_20 = arith.constant 0.000000e+00 : f32
      %sign3A_21 = vector.broadcast %sign3A_20 : f32 to vector<16x32xf32>
      %sign3A_22 = arith.cmpf ogt, %sign3A_19, %sign3A_21 : vector<16x32xf32>
      %sign3A_23 = arith.select %sign3A_22, %sign3A_18, %get3A_10 : vector<16x32xi1>, vector<16x32xf32>
      %jit3A = arith.constant 0.000000e+00 : f32
      %broadcast_in_dim3A = vector.broadcast %jit3A : f32 to vector<16x32xf32>
      %select_n3A = arith.select %gt3A_11, %sign3A_23, %broadcast_in_dim3A : vector<16x32xi1>, vector<16x32xf32>
      %swap3A = arith.constant 0 : index
      %swap3A_24 = arith.constant 0 : index
      %swap3A_25 = vector.load %arg7[%swap3A, %swap3A_24] : memref<8064x128xf32, #tpu.memory_space<vmem>>, vector<16x32xf32>
      tpu.vector_store %arg7[%swap3A, %swap3A_24], %select_n3A {strides = array<i32>} : memref<8064x128xf32, #tpu.memory_space<vmem>>, vector<16x32xf32>,
      %get3A_26 = arith.constant 16 : index
      %get3A_27 = arith.constant 0 : index
      %get3A_28 = vector.load %arg6[%get3A_26, %get3A_27] : memref<64x32xf32, #tpu.memory_space<vmem>>, vector<16x32xf32>
      %abs3A_29 = math.absf %get3A_28 : vector<16x32xf32>
      %gt3A_30 = vector.broadcast %get3A_1 : f32 to vector<16x32xf32>
      %gt3A_31 = arith.cmpf ogt, %abs3A_29, %gt3A_30 : vector<16x32xf32>
      %sign3A_32 = tpu.bitcast %get3A_28 : vector<16x32xf32> -> vector<16x32xi32>
      %sign3A_33 = arith.constant -2147483648 : i32
      %sign3A_34 = vector.broadcast %sign3A_33 : i32 to vector<16x32xi32>
      %sign3A_35 = arith.andi %sign3A_32, %sign3A_34 : vector<16x32xi32>
      %sign3A_36 = arith.constant 1065353216 : i32
      %sign3A_37 = vector.broadcast %sign3A_36 : i32 to vector<16x32xi32>
      %sign3A_38 = arith.ori %sign3A_37, %sign3A_35 : vector<16x32xi32>
      %sign3A_39 = tpu.bitcast %sign3A_38 : vector<16x32xi32> -> vector<16x32xf32>
      %sign3A_40 = math.absf %get3A_28 : vector<16x32xf32>
      %sign3A_41 = arith.constant 0.000000e+00 : f32
      %sign3A_42 = vector.broadcast %sign3A_41 : f32 to vector<16x32xf32>
      %sign3A_43 = arith.cmpf ogt, %sign3A_40, %sign3A_42 : vector<16x32xf32>
      %sign3A_44 = arith.select %sign3A_43, %sign3A_39, %get3A_28 : vector<16x32xi1>, vector<16x32xf32>
      %jit3A_45 = arith.constant 0.000000e+00 : f32
      %broadcast_in_dim3A_46 = vector.broadcast %jit3A_45 : f32 to vector<16x32xf32>
      %select_n3A_47 = arith.select %gt3A_31, %sign3A_44, %broadcast_in_dim3A_46 : vector<16x32xi1>, vector<16x32xf32>
      %swap3A_48 = arith.constant 0 : index
      %swap3A_49 = arith.constant 32 : index
      %swap3A_50 = vector.load %arg7[%swap3A_48, %swap3A_49] : memref<8064x128xf32, #tpu.memory_space<vmem>>, vector<16x32xf32>
      tpu.vector_store %arg7[%swap3A_48, %swap3A_49], %select_n3A_47 {strides = array<i32>} : memref<8064x128xf32, #tpu.memory_space<vmem>>, vector<16x32xf32>,
      %get3A_51 = arith.constant 32 : index
      %get3A_52 = arith.constant 0 : index
      %get3A_53 = vector.load %arg6[%get3A_51, %get3A_52] : memref<64x32xf32, #tpu.memory_space<vmem>>, vector<16x32xf32>
      %abs3A_54 = math.absf %get3A_53 : vector<16x32xf32>
      %gt3A_55 = vector.broadcast %get3A_1 : f32 to vector<16x32xf32>
      %gt3A_56 = arith.cmpf ogt, %abs3A_54, %gt3A_55 : vector<16x32xf32>
      %sign3A_57 = tpu.bitcast %get3A_53 : vector<16x32xf32> -> vector<16x32xi32>
      %sign3A_58 = arith.constant -2147483648 : i32
      %sign3A_59 = vector.broadcast %sign3A_58 : i32 to vector<16x32xi32>
      %sign3A_60 = arith.andi %sign3A_57, %sign3A_59 : vector<16x32xi32>
      %sign3A_61 = arith.constant 1065353216 : i32
      %sign3A_62 = vector.broadcast %sign3A_61 : i32 to vector<16x32xi32>
      %sign3A_63 = arith.ori %sign3A_62, %sign3A_60 : vector<16x32xi32>
      %sign3A_64 = tpu.bitcast %sign3A_63 : vector<16x32xi32> -> vector<16x32xf32>
      %sign3A_65 = math.absf %get3A_53 : vector<16x32xf32>
      %sign3A_66 = arith.constant 0.000000e+00 : f32
      %sign3A_67 = vector.broadcast %sign3A_66 : f32 to vector<16x32xf32>
      %sign3A_68 = arith.cmpf ogt, %sign3A_65, %sign3A_67 : vector<16x32xf32>
      %sign3A_69 = arith.select %sign3A_68, %sign3A_64, %get3A_53 : vector<16x32xi1>, vector<16x32xf32>
      %jit3A_70 = arith.constant 0.000000e+00 : f32
      %broadcast_in_dim3A_71 = vector.broadcast %jit3A_70 : f32 to vector<16x32xf32>
      %select_n3A_72 = arith.select %gt3A_56, %sign3A_69, %broadcast_in_dim3A_71 : vector<16x32xi1>, vector<16x32xf32>
      %swap3A_73 = arith.constant 0 : index
      %swap3A_74 = arith.constant 64 : index
      %swap3A_75 = vector.load %arg7[%swap3A_73, %swap3A_74] : memref<8064x128xf32, #tpu.memory_space<vmem>>, vector<16x32xf32>
      tpu.vector_store %arg7[%swap3A_73, %swap3A_74], %select_n3A_72 {strides = array<i32>} : memref<8064x128xf32, #tpu.memory_space<vmem>>, vector<16x32xf32>,
      %get3A_76 = arith.constant 48 : index
      %get3A_77 = arith.constant 0 : index
      %get3A_78 = vector.load %arg6[%get3A_76, %get3A_77] : memref<64x32xf32, #tpu.memory_space<vmem>>, vector<16x32xf32>
      %abs3A_79 = math.absf %get3A_78 : vector<16x32xf32>
      %gt3A_80 = vector.broadcast %get3A_1 : f32 to vector<16x32xf32>
      %gt3A_81 = arith.cmpf ogt, %abs3A_79, %gt3A_80 : vector<16x32xf32>
      %sign3A_82 = tpu.bitcast %get3A_78 : vector<16x32xf32> -> vector<16x32xi32>
      %sign3A_83 = arith.constant -2147483648 : i32
      %sign3A_84 = vector.broadcast %sign3A_83 : i32 to vector<16x32xi32>
      %sign3A_85 = arith.andi %sign3A_82, %sign3A_84 : vector<16x32xi32>
      %sign3A_86 = arith.constant 1065353216 : i32
      %sign3A_87 = vector.broadcast %sign3A_86 : i32 to vector<16x32xi32>
      %sign3A_88 = arith.ori %sign3A_87, %sign3A_85 : vector<16x32xi32>
      %sign3A_89 = tpu.bitcast %sign3A_88 : vector<16x32xi32> -> vector<16x32xf32>
      %sign3A_90 = math.absf %get3A_78 : vector<16x32xf32>
      %sign3A_91 = arith.constant 0.000000e+00 : f32
      %sign3A_92 = vector.broadcast %sign3A_91 : f32 to vector<16x32xf32>
      %sign3A_93 = arith.cmpf ogt, %sign3A_90, %sign3A_92 : vector<16x32xf32>
      %sign3A_94 = arith.select %sign3A_93, %sign3A_89, %get3A_78 : vector<16x32xi1>, vector<16x32xf32>
      %jit3A_95 = arith.constant 0.000000e+00 : f32
      %broadcast_in_dim3A_96 = vector.broadcast %jit3A_95 : f32 to vector<16x32xf32>
      %select_n3A_97 = arith.select %gt3A_81, %sign3A_94, %broadcast_in_dim3A_96 : vector<16x32xi1>, vector<16x32xf32>
      %swap3A_98 = arith.constant 0 : index
      %swap3A_99 = arith.constant 96 : index
      %swap3A_100 = vector.load %arg7[%swap3A_98, %swap3A_99] : memref<8064x128xf32, #tpu.memory_space<vmem>>, vector<16x32xf32>
      tpu.vector_store %arg7[%swap3A_98, %swap3A_99], %select_n3A_97 {strides = array<i32>} : memref<8064x128xf32, #tpu.memory_space<vmem>>, vector<16x32xf32>,
    } else {
    }
    return
  }
  func.func @transform_0(%arg0: i32) -> (i32, i32) {
    %c0_i32 = arith.constant 0 : i32
    %c0_i32_0 = arith.constant 0 : i32
    %c0_i32_1 = arith.constant 0 : i32
    return %c0_i32, %c0_i32_0 : i32, i32
  }
  func.func @transform_1(%arg0: i32) -> (i32, i32) {
    %add3A = arith.constant 0 : i32
    %add3A_0 = arith.addi %add3A, %arg0 : i32
    %c0_i32 = arith.constant 0 : i32
    %c0_i32_1 = arith.constant 0 : i32
    return %c0_i32, %add3A_0 : i32, i32
  }
  func.func @transform_2(%arg0: i32) -> (i32, i32) {
    %add3A = arith.constant 31 : i32
    %add3A_0 = arith.addi %add3A, %arg0 : i32
    %c0_i32 = arith.constant 0 : i32
    %c0_i32_1 = arith.constant 0 : i32
    return %c0_i32, %add3A_0 : i32, i32
  }
  func.func @transform_3(%arg0: i32) -> (i32, i32) {
    %add3A = arith.constant 62 : i32
    %add3A_0 = arith.addi %add3A, %arg0 : i32
    %c0_i32 = arith.constant 0 : i32
    %c0_i32_1 = arith.constant 0 : i32
    return %c0_i32, %add3A_0 : i32, i32
  }
  func.func @transform_4(%arg0: i32) -> (i32, i32) {
    %add3A = arith.constant 93 : i32
    %add3A_0 = arith.addi %add3A, %arg0 : i32
    %c0_i32 = arith.constant 0 : i32
    %c0_i32_1 = arith.constant 0 : i32
    return %c0_i32, %add3A_0 : i32, i32
  }
  func.func @transform_5(%arg0: i32) -> (i32, i32) {
    %c0_i32 = arith.constant 0 : i32
    %c0_i32_0 = arith.constant 0 : i32
    %c0_i32_1 = arith.constant 0 : i32
    return %c0_i32, %c0_i32_0 : i32, i32
  }
  func.func @transform_6(%arg0: i32) -> (i32, i32) {
    %c0_i32 = arith.constant 0 : i32
    %c0_i32_0 = arith.constant 0 : i32
    return %arg0, %c0_i32 : i32, i32
  }
}

</mosaic_0001>

<sc_bundles>
// kernel: kernel.5.cloned.1.call-start
scs
__scs_entry_jumppad:
0x0: {  	(pc) =	sbr.rel $0x88, $3  }
0x1: {  	(tag) =	ssettag $0x0;
	lr =	simm.s32 $0x1  }
0x2: {  	[smem:$0x3F9F] =	sst lr;
	_ =	strace $0xD0000000  }
0x3: {  	_ = 	snop  }
0x4: {  	_ = 	snop  }
0x5: {  	_ = 	snop  }
0x6: {  	_ = 	snop  }
0x7: {  	_ = 	snop  }
__scs_overlays_trampoline_lowered:
0x8: {  	[smem:$0x3FAE] =	sst s0  }
0x9: {  	[smem:$0x3FAF] =	sst s1  }
0xa: {  	[smem:$0x3FB0] =	sst s2  }
0xb: {  	[smem:$0x3FB1] =	sst s3  }
0xc: {  	[smem:$0x3FB2] =	sst s4  }
0xd: {  	[smem:$0x3FB3] =	sst s5  }
0xe: {  	[smem:$0x3FB4] =	sst s6  }
0xf: {  	[smem:$0x3FB5] =	sst s7  }
0x10: {  	[smem:$0x3FB6] =	sst s8  }
0x11: {  	[smem:$0x3FB7] =	sst s9;
	s0 =	simm.s32 @!p0 $0x0  }
0x12: {  	s1 =	sld [smem:$0x3F9D];
	s0 =	simm.s32 @p0 $0x1  }
0x13: {  	[smem:$0x3FB8] =	sst s0;
	s0 =	simm.s32 @!p1 $0x0  }
0x14: {  	s2 =	sld [smem:$0x3F9C];
	s0 =	simm.s32 @p1 $0x1  }
0x15: {  	[smem:$0x3FB9] =	sst s0;
	s0 =	simm.s32 @!p2 $0x0  }
0x16: {  	s3 =	sld [smem:$0x3FDB];
	s0 =	simm.s32 @p2 $0x1  }
0x17: {  	s4 =	simm.s32 $0x1BF5;
	[smem:$0x3FBB] =	sst s0  }
0x18: {  	s0 =	sld [smem:$0x3F9E];
	_ =	swait.ge [sflag:s4], $0x0  }
0x19: {  	s7 =	sld [smem:$0x3F9F]  }
0x1a: {  	s8 =	sadd.s32 $0xFFFFE003, lr  }
0x1b: {  	s9 =	sadd.s32 $0xFFFFFEF7, lr;
	s5 =	simm.s32 $0xFFFFFFFF;
	p2 =	slt.u32 s8, $0xFFFFF086  }
0x1c: {  	p1 =	slt.u32 s9, $0xF7A;
	s5 =	simm.s32 @!p2 $0x0  }
0x1d: {  	s5 =	simm.s32 @p1 $0x1;
	p0 =	seq.s32 s7, s2  }
0x1e: {  	s7 =	smul.u32 @!p0 $0xF7A, s2;
	p2 =	seq.s32 @!p0 s5, $0x0  }
0x1f: {  	s9 =	smul.u32 $0xF7A, s1;
	s8 =	simm.s32 @!p0 $0x1BF5;
	p2 =	por !p2, p0  }
0x20: {  	[sflag:s8] =	ssyncset.s32 @!p0 $0xFFFFF086;
	s6 =	sadd.s32 @!p0 s3, s7;
	s7 =	simm.s32 @!p0 $0x108  }
0x21: {  	s3 =	sadd.s32 s3, s9;
	s6 =	sadd.s32 @!p0 $0x88, s6;
	s7 =	simm.s32 @p2 $0x1082  }
0x22: {  	[simem:s7], [sflag:s8] =	dma.local @!p0 [hbm:s6], $0xF7A  }
0x23: {  	s9 =	sor.u32 $0xD0000000, s2;
	s6 =	simm.s32 $0x108;
	_ =	swait.ge @!p0 [sflag:s8], $0x0  }
0x24: {  	s3 =	sadd.s32 $0x88, s3;
	s6 =	simm.s32 @!p1 $0x1082;
	[sflag:s4] =	ssyncset.s32 $0xFFFFF086  }
0x25: {  	[simem:s6], [sflag:s4] =	dma.local [hbm:s3], $0xF7A  }
0x26: {  	[smem:$0x3F9F] =	sst s1;
	(tag) =	ssettag s2;
	_ =	strace s9  }
0x27: {  	s1 =	sld [smem:$0x3FAF]  }
0x28: {  	s2 =	sld [smem:$0x3FB0]  }
0x29: {  	s4 =	sld [smem:$0x3FB2]  }
0x2a: {  	p0 =	seq.s32 s5, $0x0;
	s5 =	sld [smem:$0x3FB3]  }
0x2b: {  	s6 =	sld [smem:$0x3FB4]  }
0x2c: {  	s7 =	sld [smem:$0x3FB5]  }
0x2d: {  	s3 =	simm.s32 $0x108;
	s8 =	sld [smem:$0x3FB6]  }
0x2e: {  	s3 =	simm.s32 @!p0 $0x1082;
	s9 =	sld [smem:$0x3FB7]  }
0x2f: {  	lr =	sadd.s32 s0, s3;
	s0 =	sld [smem:$0x3FAE]  }
0x30: {  	s3 =	sld [smem:$0x3FB1]  }
0x31: {  	[smem:$0x3FBA] =	sst s10  }
0x32: {  	s10 =	sld [smem:$0x3FB8];
	_ =	sdelay $0x3  }
0x33: {  	p0 =	seq.s32 s10, $0x1;
	s10 =	sld [smem:$0x3FBA];
	_ =	sdelay $0x3  }
0x34: {  	[smem:$0x3FBA] =	sst s10  }
0x35: {  	s10 =	sld [smem:$0x3FB9];
	_ =	sdelay $0x3  }
0x36: {  	p1 =	seq.s32 s10, $0x1;
	s10 =	sld [smem:$0x3FBA];
	_ =	sdelay $0x3  }
0x37: {  	[smem:$0x3FBA] =	sst s10  }
0x38: {  	s10 =	sld [smem:$0x3FBB]  }
0x39: {  	_ = 	snop;
	(pc) =	sbr.ind lr, $3  }
0x3a: {  	_ = 	snop  }
0x3b: {  	_ = 	snop  }
0x3c: {  	p2 =	seq.s32 s10, $0x1;
	s10 =	sld [smem:$0x3FBA]  }
0x3d: {  	_ =	shalt  }
0x3e: {  	_ =	shalt  }
0x3f: {  	_ =	shalt  }
0x40: {  	_ =	shalt  }
0x41: {  	_ =	shalt  }
0x42: {  	_ =	shalt  }
0x43: {  	_ =	shalt  }
0x44: {  	_ =	shalt  }
0x45: {  	_ =	shalt  }
0x46: {  	_ =	shalt  }
0x47: {  	_ =	shalt  }
0x48: {  	_ =	shalt  }
0x49: {  	_ =	shalt  }
0x4a: {  	_ =	shalt  }
0x4b: {  	_ =	shalt  }
0x4c: {  	_ =	shalt  }
0x4d: {  	_ =	shalt  }
0x4e: {  	_ =	shalt  }
0x4f: {  	_ =	shalt  }
0x50: {  	_ =	shalt  }
0x51: {  	_ =	shalt  }
0x52: {  	_ =	shalt  }
0x53: {  	_ =	shalt  }
0x54: {  	_ =	shalt  }
0x55: {  	_ =	shalt  }
0x56: {  	_ =	shalt  }
0x57: {  	_ =	shalt  }
0x58: {  	_ =	shalt  }
0x59: {  	_ =	shalt  }
0x5a: {  	_ =	shalt  }
0x5b: {  	_ =	shalt  }
0x5c: {  	_ =	shalt  }
0x5d: {  	_ =	shalt  }
0x5e: {  	_ =	shalt  }
0x5f: {  	_ =	shalt  }
0x60: {  	_ =	shalt  }
0x61: {  	_ =	shalt  }
0x62: {  	_ =	shalt  }
0x63: {  	_ =	shalt  }
0x64: {  	_ =	shalt  }
0x65: {  	_ =	shalt  }
0x66: {  	_ =	shalt  }
0x67: {  	_ =	shalt  }
0x68: {  	_ =	shalt  }
0x69: {  	_ =	shalt  }
0x6a: {  	_ =	shalt  }
0x6b: {  	_ =	shalt  }
0x6c: {  	_ =	shalt  }
0x6d: {  	_ =	shalt  }
0x6e: {  	_ =	shalt  }
0x6f: {  	_ =	shalt  }
0x70: {  	_ =	shalt  }
0x71: {  	_ =	shalt  }
0x72: {  	_ =	shalt  }
0x73: {  	_ =	shalt  }
0x74: {  	_ =	shalt  }
0x75: {  	_ =	shalt  }
0x76: {  	_ =	shalt  }
0x77: {  	_ =	shalt  }
0x78: {  	_ =	shalt  }
0x79: {  	_ =	shalt  }
0x7a: {  	_ =	shalt  }
0x7b: {  	_ =	shalt  }
0x7c: {  	_ =	shalt  }
0x7d: {  	_ =	shalt  }
0x7e: {  	_ =	shalt  }
0x7f: {  	_ =	shalt  }
0x80: {  	_ =	shalt  }
0x81: {  	_ =	shalt  }
0x82: {  	_ =	shalt  }
0x83: {  	_ =	shalt  }
0x84: {  	_ =	shalt  }
0x85: {  	_ =	shalt  }
0x86: {  	_ =	shalt  }
0x87: {  	_ =	shalt  }
.Lfunc_end0:
.L_simem_size_0:
called_computation.1_lowered:
.L_overlay_start_0:
0x88: {  	s2 =	sld [smem:$0x3FD9]  }
0x89: {  	s3 =	sld [smem:$0x3FFE];
	_ =	sdelay $0x1  }
0x8a: {  	s1 =	srdreg.scid  }
0x8b: {  	s0 =	sand.u32 $0x1, s1  }
0x8c: {  	s17 =	sshll.u32 s0, $0xA;
	s2 =	sadd.s32 s3, s2  }
0x8d: {  	s2 =	sadd.s32 s2, s17  }
0x8e: {  	[smem:$0x3FC6] =	sst s2  }
0x8f: {  	_ = 	snop  }
0x90: {  	s2 =	sld [smem:$0x3FD0];
	(tm) =	ssettm $0x1  }
0x91: {  	s18 =	sld [smem:$0x3FFB];
	_ =	sdelay $0x3  }
0x92: {  	_ =	strace s18  }
0x93: {  	s3 =	sld [smem:$0x3FFC];
	_ =	sdelay $0x3  }
0x94: {  	_ =	strace s3  }
0x95: {  	s3 =	sld [smem:$0x3FFD];
	_ =	sdelay $0x3  }
0x96: {  	_ =	strace s3  }
0x97: {  	_ =	strace $0x8FFFFFFF  }
0x98: {  	s19 =	sld [smem:$0x3FDB];
	_ =	sdelay $0x1  }
0x99: {  	s4 =	simm.s32 $_scs_section_size  }
0x9a: {  	s5 =	simm.s32 $_size__tile_overlayer_lowered;
	s6 =	simm.s32 $_tile_overlayer_lowered  }
0x9b: {  	s22 =	simm.s32 $0x1BFF;
	s21 =	sshll.u32 s6, $0x1;
	s3 =	sadd.s32 s4, s19  }
0x9c: {  	s7 =	simm.s32 $0x0;
	s20 =	sshll.u32 s5, $0x1;
	s5 =	sadd.s32 s21, s3  }
0x9d: {  	[timem:s7], [sflag:s22] =	dma.local [hbm:s5], s20  }
0x9e: {  	_ =	swait.ge [sflag:s22], s20  }
0x9f: {  	s4 =	ssub.s32 $0x0, s20;
	[sflag:s22] =	ssyncset.done $0x0  }
0xa0: {  	[sflag:s22] =	ssyncadd.s32 s4;
	_ =	sdelay $0x1  }
0xa1: {  	s23 =	simm.s32 $0x1B8B  }
0xa2: {  	_ =	swait.ge [sflag:s23], $0x1  }
0xa3: {  	[sflag:s23] =	ssyncset.done $0x0  }
0xa4: {  	s25 =	simm.s32 $0x1B8E;
	s24 =	sld [smem:$0x3FFE];
	[sflag:s23] =	ssyncadd.s32 $0xFFFFFFFF  }
0xa5: {  	s26 =	simm.s32 $execute0_lowered;
	[smem:$0x3FD2] =	sst s25  }
0xa6: {  	s5 =	sshll.u32 s26, $0x1;
	_ =	strace $0x80000046;
	[dreg:$0x1] =	wrdreg $0xFFFFFFFF  }
0xa7: {  	s28 =	simm.s32 $_size_execute0_lowered;
	s3 =	sadd.s32 s3, s5;
	[dreg:$0x0] =	wrdreg $0x0  }
0xa8: {  	s5 =	sshll.u32 s28, $0x1;
	[dreg:$0x2] =	wrdreg s3  }
0xa9: {  	[dreg:$0x3] =	wrdreg s5  }
0xaa: {  	[dreg:$0x4] =	wrdreg $0xC0  }
0xab: {  	_ =	task [dreg:s7], $0x5FFFF  }
0xac: {  	[dreg:$0x1] =	wrdreg $0xFFFFFFFF  }
0xad: {  	[dreg:$0x0] =	wrdreg $0x60  }
0xae: {  	[dreg:$0x2] =	wrdreg s24  }
0xaf: {  	[dreg:$0x3] =	wrdreg s2  }
0xb0: {  	[dreg:$0x4] =	wrdreg $0x9  }
0xb1: {  	_ =	task.clear_ibuf [dreg:s7], $0x5FFFF;
	_ =	strace $0x90000046  }
0xb2: {  	s29 =	simm.s32 $0x9;
	_ =	strace $0x80000048  }
0xb3: {  	_ =	swait.ge [sflag:s29], $0x1  }
0xb4: {  	[sflag:s29] =	ssyncadd.s32 $0xFFFFFFFF  }
0xb5: {  	_ =	strace $0x90000048  }
0xb6: {  	_ =	sfence  }
0xb7: {  	s30 =	sld [smem:$0x0];
	_ =	sdelay $0x2  }
0xb8: {  	s31 =	sshll.u32 s1, $0xD;
	s1 =	sshrl.u32 s1, $0x2  }
0xb9: {  	s3 =	sand.u32 $0x4000, s31;
	s1 =	sadd.s32 s1, s30  }
0xba: {  	s0 =	sor.u32 s3, s0;
	s1 =	sshll.u32 s1, $0x11  }
0xbb: {  	s0 =	sor.u32 s1, s0  }
0xbc: {  	s0 =	sadd.s32 $0x8F2B, s0  }
0xbd: {  	[sflag:s0] =	ssyncadd.remote.s32 $0x1  }
0xbe: {  	_ =	sfence.sel $0xFFFF  }
0xbf: {  	[dreg:$0x0] =	wrdreg $0xFFFFFFFF;
	(pc) =	sbr.abs _section_cstart, $3  }
0xc0: {  	[dreg:$0x1] =	wrdreg $0xFFFFFFFF  }
0xc1: {  	_ =	task.clear_ibuf [dreg:s7], $0x2FFFF;
	_ =	strace $0x9FFFFFFF  }
0xc2: {  	(tm) =	ssettm $0x7FFFFFFF  }
0xc3: {  	_ =	shalt  }
tec
execute0_lowered:
.L_overlay_start_1:
0x0: {  	(tag) =	ssettag $0x1  }
0x1: {  	s4 =	rddreg [dreg:$0x0]  }
0x2: {  	s1 =	srdreg.scid;
	s0 =	stileid.u32  }
0x3: {  	s5 =	rddreg [dreg:$0x1];
	s2 =	simm.s32 $0x0;
	s10 =	simm.s32 $0x80  }
0x4: {  	s11 =	simm.s32 $0x6800;
	s12 =	simm.s32 $0x7800;
	s13 =	simm.s32 $0x8800  }
0x5: {  	s14 =	simm.s32 $0x9800;
	s15 =	simm.s32 $0x1;
	s16 =	simm.s32 $0xA800  }
0x6: {  	s17 =	simm.s32 $0xB800;
	s18 =	simm.s32 $0xC800;
	s19 =	simm.s32 $0xD800  }
0x7: {  	s20 =	simm.s32 $0x2;
	s21 =	simm.s32 $0x3;
	s22 =	simm.s32 $0x0  }
0x8: {  	s3 =	sand.u32 $0x1, s1;
	s6 =	sshll.u32 s0, $0x1;
	s1 =	rddreg [dreg:$0x2]  }
0x9: {  	[smem:$0x7FF] =	sst s2;
	s6 =	sor.u32 s3, s6;
	s7 =	ssub.s32 $0x2, s3  }
0xa: {  	_ =	strace $0x80000047;
	s6 =	smul.u32 $0x680, s6;
	s8 =	sshrl.u32 s7, $0x1  }
0xb: {  	s3 =	sadd.s32 $0xDA00, s4;
	s7 =	ssub.s32 s7, s8;
	s8 =	simm.s32 $0x4  }
0xc: {  	s9 =	sadd.s32 s6, s4;
	s4 =	sadd.s32 $0x3FDA00, s4;
	s5 =	sadd.s32 s5, s6  }
0xd: {  	s7 =	smax.u32 s7, $0x1;
	s6 =	sadd.s32 $0xA00, s9;
	s9 =	simm.s32 $0x3400  }
.LBB2_1:
0xe: {  	[tilespmem:s2], [sflag:$0x4] =	stream.linear.gather [hbm4b:s5+s2], $0x3400, $0x38;
	[tilespmem:$0xE800] =	vst v63  }
0xf: {  	_ =	swait.ge [sflag:s8], $0x3400  }
0x10: {  	[sflag:s8] =	ssyncset.done $0x0  }
0x11: {  	[sflag:s8] =	ssyncadd.s32 $0xFFFFCC00  }
0x12: {  	[tilespmem:s9], [sflag:$0x4] =	stream.linear.gather [hbm4b:s6+s2], $0x3400, $0x38;
	[tilespmem:$0xE800] =	vst v63  }
0x13: {  	p0 =	por $0x1, $0x1;
	_ =	swait.ge [sflag:s8], $0x3400  }
0x14: {  	p0 =	por p0, p0;
	[sflag:s8] =	ssyncset.done $0x0  }
0x15: {  	s23 =	simm.s32 @!p0 $0x2;
	[sflag:s8] =	ssyncadd.s32 $0xFFFFCC00  }
0x16: {  	_ =	swait.ge @!p0 [sflag:s23], $0x1000  }
0x17: {  	[sflag:s23] =	ssyncset.done @!p0 $0x0  }
0x18: {  	[sflag:s23] =	ssyncadd.s32 @!p0 $0xFFFFF000  }
0x19: {  	_ =	swait.ge @!p0 [sflag:s23], $0x1000  }
0x1a: {  	[sflag:s23] =	ssyncset.done @!p0 $0x0  }
0x1b: {  	[sflag:s23] =	ssyncadd.s32 @!p0 $0xFFFFF000  }
0x1c: {  	_ =	swait.ge @!p0 [sflag:s23], $0x1000  }
0x1d: {  	[sflag:s23] =	ssyncset.done @!p0 $0x0  }
0x1e: {  	[sflag:s23] =	ssyncadd.s32 @!p0 $0xFFFFF000  }
0x1f: {  	_ =	swait.ge @!p0 [sflag:s23], $0x1000  }
0x20: {  	[sflag:s23] =	ssyncset.done @!p0 $0x0  }
0x21: {  	s31 =	simm.s32 $0x0;
	[sflag:s23] =	ssyncadd.s32 @!p0 $0xFFFFF000  }
0x22: {  	[tilespmem:s11], [sflag:$0x1] =	stream.indirect.gather [hbm4b:s3+s10], $0x20, s31, s10, $0xb8;
	[tilespmem:$0xE800] =	vst v63  }
0x23: {  	s24 =	simm.s32 $0x80  }
0x24: {  	[tilespmem:s12], [sflag:$0x1] =	stream.indirect.gather [hbm4b:s3+s10], $0x20, s24, s10, $0xb8;
	[tilespmem:$0xE800] =	vst v63  }
0x25: {  	s25 =	simm.s32 $0x100  }
0x26: {  	[tilespmem:s13], [sflag:$0x1] =	stream.indirect.gather [hbm4b:s3+s10], $0x20, s25, s10, $0xb8;
	[tilespmem:$0xE800] =	vst v63  }
0x27: {  	s26 =	simm.s32 $0x180  }
0x28: {  	[tilespmem:s14], [sflag:$0x1] =	stream.indirect.gather [hbm4b:s3+s10], $0x20, s26, s10, $0xb8;
	[tilespmem:$0xE800] =	vst v63  }
0x29: {  	_ =	swait.ge [sflag:s15], $0x1000  }
0x2a: {  	[sflag:s15] =	ssyncset.done $0x0  }
0x2b: {  	[sflag:s15] =	ssyncadd.s32 $0xFFFFF000  }
0x2c: {  	_ =	swait.ge [sflag:s15], $0x1000  }
0x2d: {  	[sflag:s15] =	ssyncset.done $0x0  }
0x2e: {  	[sflag:s15] =	ssyncadd.s32 $0xFFFFF000  }
0x2f: {  	_ =	swait.ge [sflag:s15], $0x1000  }
0x30: {  	[sflag:s15] =	ssyncset.done $0x0  }
0x31: {  	[sflag:s15] =	ssyncadd.s32 $0xFFFFF000  }
0x32: {  	_ =	swait.ge [sflag:s15], $0x1000  }
0x33: {  	[sflag:s15] =	ssyncset.done $0x0  }
0x34: {  	s28 =	simm.s32 $0x3400;
	[sflag:s15] =	ssyncadd.s32 $0xFFFFF000  }
0x35: {  	[hbm4b:s4+s10] =	stream.indirect.scatter [tilespmem:s11], [sflag:$0x2], $0x20, s28, s10, $0xb8;
	[tilespmem:$0xE800] =	vst v63  }
0x36: {  	s29 =	simm.s32 $0x3480  }
0x37: {  	[hbm4b:s4+s10] =	stream.indirect.scatter [tilespmem:s12], [sflag:$0x2], $0x20, s29, s10, $0xb8;
	[tilespmem:$0xE800] =	vst v63  }
0x38: {  	s30 =	simm.s32 $0x3500  }
0x39: {  	[hbm4b:s4+s10] =	stream.indirect.scatter [tilespmem:s13], [sflag:$0x2], $0x20, s30, s10, $0xb8;
	[tilespmem:$0xE800] =	vst v63  }
0x3a: {  	s31 =	simm.s32 $0x3580;
	s24 =	simm.s32 @!p0 $0x3  }
0x3b: {  	[hbm4b:s4+s10] =	stream.indirect.scatter [tilespmem:s14], [sflag:$0x2], $0x20, s31, s10, $0xb8;
	[tilespmem:$0xE800] =	vst v63  }
0x3c: {  	_ =	swait.ge @!p0 [sflag:s24], $0x1000  }
0x3d: {  	[sflag:s24] =	ssyncset.done @!p0 $0x0  }
0x3e: {  	[sflag:s24] =	ssyncadd.s32 @!p0 $0xFFFFF000  }
0x3f: {  	_ =	swait.ge @!p0 [sflag:s24], $0x1000  }
0x40: {  	[sflag:s24] =	ssyncset.done @!p0 $0x0  }
0x41: {  	[sflag:s24] =	ssyncadd.s32 @!p0 $0xFFFFF000  }
0x42: {  	_ =	swait.ge @!p0 [sflag:s24], $0x1000  }
0x43: {  	[sflag:s24] =	ssyncset.done @!p0 $0x0  }
0x44: {  	[sflag:s24] =	ssyncadd.s32 @!p0 $0xFFFFF000  }
0x45: {  	_ =	swait.ge @!p0 [sflag:s24], $0x1000  }
0x46: {  	[sflag:s24] =	ssyncset.done @!p0 $0x0  }
0x47: {  	[sflag:s24] =	ssyncadd.s32 @!p0 $0xFFFFF000;
	s24 =	simm.s32 $0x200  }
0x48: {  	[tilespmem:s16], [sflag:$0x1] =	stream.indirect.gather [hbm4b:s3+s10], $0x20, s24, s10, $0xb8;
	[tilespmem:$0xE800] =	vst v63  }
0x49: {  	s25 =	simm.s32 $0x280  }
0x4a: {  	[tilespmem:s17], [sflag:$0x1] =	stream.indirect.gather [hbm4b:s3+s10], $0x20, s25, s10, $0xb8;
	[tilespmem:$0xE800] =	vst v63  }
0x4b: {  	s26 =	simm.s32 $0x300  }
0x4c: {  	[tilespmem:s18], [sflag:$0x1] =	stream.indirect.gather [hbm4b:s3+s10], $0x20, s26, s10, $0xb8;
	[tilespmem:$0xE800] =	vst v63  }
0x4d: {  	s28 =	simm.s32 $0x380  }
0x4e: {  	[tilespmem:s19], [sflag:$0x1] =	stream.indirect.gather [hbm4b:s3+s10], $0x20, s28, s10, $0xb8;
	[tilespmem:$0xE800] =	vst v63  }
0x4f: {  	_ =	swait.ge [sflag:s15], $0x1000  }
0x50: {  	[sflag:s15] =	ssyncset.done $0x0  }
0x51: {  	[sflag:s15] =	ssyncadd.s32 $0xFFFFF000  }
0x52: {  	_ =	swait.ge [sflag:s15], $0x1000  }
0x53: {  	[sflag:s15] =	ssyncset.done $0x0  }
0x54: {  	[sflag:s15] =	ssyncadd.s32 $0xFFFFF000  }
0x55: {  	_ =	swait.ge [sflag:s15], $0x1000  }
0x56: {  	[sflag:s15] =	ssyncset.done $0x0  }
0x57: {  	[sflag:s15] =	ssyncadd.s32 $0xFFFFF000  }
0x58: {  	_ =	swait.ge [sflag:s15], $0x1000  }
0x59: {  	[sflag:s15] =	ssyncset.done $0x0  }
0x5a: {  	p6 =	por $0x0, $0x0;
	s29 =	simm.s32 $0x3600;
	[sflag:s15] =	ssyncadd.s32 $0xFFFFF000  }
0x5b: {  	[hbm4b:s4+s10] =	stream.indirect.scatter [tilespmem:s16], [sflag:$0x3], $0x20, s29, s10, $0xb8;
	[tilespmem:$0xE800] =	vst v63  }
0x5c: {  	s23 =	simm.s32 $0x1000;
	s30 =	simm.s32 $0x3680;
	s31 =	simm.s32 $0x3700  }
0x5d: {  	[hbm4b:s4+s10] =	stream.indirect.scatter [tilespmem:s17], [sflag:$0x3], $0x20, s30, s10, $0xb8;
	[tilespmem:$0xE800] =	vst v63  }
0x5e: {  	p0 =	por p6, p6;
	s24 =	simm.s32 $0x2000;
	s25 =	simm.s32 $0x3780  }
0x5f: {  	[hbm4b:s4+s10] =	stream.indirect.scatter [tilespmem:s18], [sflag:$0x3], $0x20, s31, s10, $0xb8;
	[tilespmem:$0xE800] =	vst v63  }
.LBB2_2:
0x60: {  	[hbm4b:s4+s10] =	stream.indirect.scatter [tilespmem:s19], [sflag:$0x3], $0x20, s25, s10, $0xb8;
	[tilespmem:$0xE800] =	vst v63  }
0x61: {  	s26 =	smov.u32 s24  }
0x62: {  	s24 =	sadd.s32 $0x1000, s24;
	s25 =	simm.s32 @!p0 $0x2;
	p2 =	seq.s32 s26, $0x0  }
0x63: {  	p1 =	sne.s32 s24, $0xD000;
	_ =	swait.ge @!p0 [sflag:s25], $0x1000  }
0x64: {  	[sflag:s25] =	ssyncset.done @!p0 $0x0  }
0x65: {  	[sflag:s25] =	ssyncadd.s32 @!p0 $0xFFFFF000  }
0x66: {  	_ =	swait.ge @!p0 [sflag:s25], $0x1000  }
0x67: {  	[sflag:s25] =	ssyncset.done @!p0 $0x0  }
0x68: {  	[sflag:s25] =	ssyncadd.s32 @!p0 $0xFFFFF000  }
0x69: {  	_ =	swait.ge @!p0 [sflag:s25], $0x1000  }
0x6a: {  	[sflag:s25] =	ssyncset.done @!p0 $0x0  }
0x6b: {  	[sflag:s25] =	ssyncadd.s32 @!p0 $0xFFFFF000  }
0x6c: {  	_ =	swait.ge @!p0 [sflag:s25], $0x1000  }
0x6d: {  	[sflag:s25] =	ssyncset.done @!p0 $0x0  }
0x6e: {  	[sflag:s25] =	ssyncadd.s32 @!p0 $0xFFFFF000;
	s25 =	sshra.s32 s23, $0x2;
	s23 =	smov.u32 s26  }
0x6f: {  	[tilespmem:s11], [sflag:$0x1] =	stream.indirect.gather [hbm4b:s3+s10], $0x20, s25, s10, $0xb8;
	[tilespmem:$0xE800] =	vst v63  }
0x70: {  	s26 =	sadd.s32 $0x80, s25  }
0x71: {  	[tilespmem:s12], [sflag:$0x1] =	stream.indirect.gather [hbm4b:s3+s10], $0x20, s26, s10, $0xb8;
	[tilespmem:$0xE800] =	vst v63  }
0x72: {  	s26 =	sadd.s32 $0x100, s25  }
0x73: {  	[tilespmem:s13], [sflag:$0x1] =	stream.indirect.gather [hbm4b:s3+s10], $0x20, s26, s10, $0xb8;
	[tilespmem:$0xE800] =	vst v63  }
0x74: {  	s26 =	sadd.s32 $0x180, s25  }
0x75: {  	[tilespmem:s14], [sflag:$0x1] =	stream.indirect.gather [hbm4b:s3+s10], $0x20, s26, s10, $0xb8;
	[tilespmem:$0xE800] =	vst v63  }
0x76: {  	_ =	swait.ge [sflag:s15], $0x1000  }
0x77: {  	[sflag:s15] =	ssyncset.done $0x0  }
0x78: {  	[sflag:s15] =	ssyncadd.s32 $0xFFFFF000  }
0x79: {  	_ =	swait.ge [sflag:s15], $0x1000  }
0x7a: {  	[sflag:s15] =	ssyncset.done $0x0  }
0x7b: {  	[sflag:s15] =	ssyncadd.s32 $0xFFFFF000  }
0x7c: {  	_ =	swait.ge [sflag:s15], $0x1000  }
0x7d: {  	[sflag:s15] =	ssyncset.done $0x0  }
0x7e: {  	[sflag:s15] =	ssyncadd.s32 $0xFFFFF000  }
0x7f: {  	_ =	swait.ge [sflag:s15], $0x1000  }
0x80: {  	[sflag:s15] =	ssyncset.done $0x0  }
0x81: {  	s26 =	sadd.s32 $0x3400, s25;
	[sflag:s15] =	ssyncadd.s32 $0xFFFFF000  }
0x82: {  	[hbm4b:s4+s10] =	stream.indirect.scatter [tilespmem:s11], [sflag:$0x2], $0x20, s26, s10, $0xb8;
	[tilespmem:$0xE800] =	vst v63  }
0x83: {  	s26 =	sadd.s32 $0x3480, s25  }
0x84: {  	[hbm4b:s4+s10] =	stream.indirect.scatter [tilespmem:s12], [sflag:$0x2], $0x20, s26, s10, $0xb8;
	[tilespmem:$0xE800] =	vst v63  }
0x85: {  	s26 =	sadd.s32 $0x3500, s25  }
0x86: {  	[hbm4b:s4+s10] =	stream.indirect.scatter [tilespmem:s13], [sflag:$0x2], $0x20, s26, s10, $0xb8;
	[tilespmem:$0xE800] =	vst v63  }
0x87: {  	s28 =	simm.s32 @!p0 $0x3;
	s26 =	sadd.s32 $0x3580, s25  }
0x88: {  	[hbm4b:s4+s10] =	stream.indirect.scatter [tilespmem:s14], [sflag:$0x2], $0x20, s26, s10, $0xb8;
	[tilespmem:$0xE800] =	vst v63  }
0x89: {  	_ =	swait.ge @!p0 [sflag:s28], $0x1000  }
0x8a: {  	[sflag:s28] =	ssyncset.done @!p0 $0x0  }
0x8b: {  	[sflag:s28] =	ssyncadd.s32 @!p0 $0xFFFFF000  }
0x8c: {  	_ =	swait.ge @!p0 [sflag:s28], $0x1000  }
0x8d: {  	[sflag:s28] =	ssyncset.done @!p0 $0x0  }
0x8e: {  	[sflag:s28] =	ssyncadd.s32 @!p0 $0xFFFFF000  }
0x8f: {  	_ =	swait.ge @!p0 [sflag:s28], $0x1000  }
0x90: {  	[sflag:s28] =	ssyncset.done @!p0 $0x0  }
0x91: {  	[sflag:s28] =	ssyncadd.s32 @!p0 $0xFFFFF000  }
0x92: {  	_ =	swait.ge @!p0 [sflag:s28], $0x1000  }
0x93: {  	[sflag:s28] =	ssyncset.done @!p0 $0x0  }
0x94: {  	s26 =	sadd.s32 $0x200, s25;
	[sflag:s28] =	ssyncadd.s32 @!p0 $0xFFFFF000;
	p0 =	por p2, p2  }
0x95: {  	[tilespmem:s16], [sflag:$0x1] =	stream.indirect.gather [hbm4b:s3+s10], $0x20, s26, s10, $0xb8;
	[tilespmem:$0xE800] =	vst v63  }
0x96: {  	s26 =	sadd.s32 $0x280, s25  }
0x97: {  	[tilespmem:s17], [sflag:$0x1] =	stream.indirect.gather [hbm4b:s3+s10], $0x20, s26, s10, $0xb8;
	[tilespmem:$0xE800] =	vst v63  }
0x98: {  	s26 =	sadd.s32 $0x300, s25  }
0x99: {  	[tilespmem:s18], [sflag:$0x1] =	stream.indirect.gather [hbm4b:s3+s10], $0x20, s26, s10, $0xb8;
	[tilespmem:$0xE800] =	vst v63  }
0x9a: {  	s26 =	sadd.s32 $0x380, s25  }
0x9b: {  	[tilespmem:s19], [sflag:$0x1] =	stream.indirect.gather [hbm4b:s3+s10], $0x20, s26, s10, $0xb8;
	[tilespmem:$0xE800] =	vst v63  }
0x9c: {  	_ =	swait.ge [sflag:s15], $0x1000  }
0x9d: {  	[sflag:s15] =	ssyncset.done $0x0  }
0x9e: {  	[sflag:s15] =	ssyncadd.s32 $0xFFFFF000  }
0x9f: {  	_ =	swait.ge [sflag:s15], $0x1000  }
0xa0: {  	[sflag:s15] =	ssyncset.done $0x0  }
0xa1: {  	[sflag:s15] =	ssyncadd.s32 $0xFFFFF000  }
0xa2: {  	_ =	swait.ge [sflag:s15], $0x1000  }
0xa3: {  	[sflag:s15] =	ssyncset.done $0x0  }
0xa4: {  	[sflag:s15] =	ssyncadd.s32 $0xFFFFF000  }
0xa5: {  	_ =	swait.ge [sflag:s15], $0x1000  }
0xa6: {  	[sflag:s15] =	ssyncset.done $0x0  }
0xa7: {  	s26 =	sadd.s32 $0x3600, s25;
	[sflag:s15] =	ssyncadd.s32 $0xFFFFF000  }
0xa8: {  	[hbm4b:s4+s10] =	stream.indirect.scatter [tilespmem:s16], [sflag:$0x3], $0x20, s26, s10, $0xb8;
	[tilespmem:$0xE800] =	vst v63  }
.Ltmp0:
0xa9: {  	s26 =	sadd.s32 $0x3680, s25;
	(pc) =	sbr.rel @p1 .LBB2_2-.Ltmp0, $4  }
0xaa: {  	[hbm4b:s4+s10] =	stream.indirect.scatter [tilespmem:s17], [sflag:$0x3], $0x20, s26, s10, $0xb8;
	[tilespmem:$0xE800] =	vst v63  }
0xab: {  	s26 =	sadd.s32 $0x3700, s25  }
0xac: {  	[hbm4b:s4+s10] =	stream.indirect.scatter [tilespmem:s18], [sflag:$0x3], $0x20, s26, s10, $0xb8;
	[tilespmem:$0xE800] =	vst v63  }
0xad: {  	s25 =	sadd.s32 $0x3780, s25  }
0xae: {  	[hbm4b:s4+s10] =	stream.indirect.scatter [tilespmem:s19], [sflag:$0x3], $0x20, s25, s10, $0xb8;
	[tilespmem:$0xE800] =	vst v63  }
0xaf: {  	s24 =	simm.s32 @!p0 $0x2  }
0xb0: {  	_ =	swait.ge @!p0 [sflag:s24], $0x1000  }
0xb1: {  	[sflag:s24] =	ssyncset.done @!p0 $0x0  }
0xb2: {  	[sflag:s24] =	ssyncadd.s32 @!p0 $0xFFFFF000  }
0xb3: {  	_ =	swait.ge @!p0 [sflag:s24], $0x1000  }
0xb4: {  	[sflag:s24] =	ssyncset.done @!p0 $0x0  }
0xb5: {  	[sflag:s24] =	ssyncadd.s32 @!p0 $0xFFFFF000  }
0xb6: {  	_ =	swait.ge @!p0 [sflag:s24], $0x1000  }
0xb7: {  	[sflag:s24] =	ssyncset.done @!p0 $0x0  }
0xb8: {  	[sflag:s24] =	ssyncadd.s32 @!p0 $0xFFFFF000  }
0xb9: {  	_ =	swait.ge @!p0 [sflag:s24], $0x1000  }
0xba: {  	[sflag:s24] =	ssyncset.done @!p0 $0x0  }
0xbb: {  	s23 =	sshra.s32 s23, $0x2;
	[sflag:s24] =	ssyncadd.s32 @!p0 $0xFFFFF000  }
0xbc: {  	[tilespmem:s11], [sflag:$0x1] =	stream.indirect.gather [hbm4b:s3+s10], $0x20, s23, s10, $0xb8;
	[tilespmem:$0xE800] =	vst v63  }
0xbd: {  	s30 =	sadd.s32 $0x80, s23  }
0xbe: {  	[tilespmem:s12], [sflag:$0x1] =	stream.indirect.gather [hbm4b:s3+s10], $0x20, s30, s10, $0xb8;
	[tilespmem:$0xE800] =	vst v63  }
0xbf: {  	s31 =	sadd.s32 $0x100, s23  }
0xc0: {  	[tilespmem:s13], [sflag:$0x1] =	stream.indirect.gather [hbm4b:s3+s10], $0x20, s31, s10, $0xb8;
	[tilespmem:$0xE800] =	vst v63  }
0xc1: {  	s25 =	sadd.s32 $0x180, s23  }
0xc2: {  	[tilespmem:s14], [sflag:$0x1] =	stream.indirect.gather [hbm4b:s3+s10], $0x20, s25, s10, $0xb8;
	[tilespmem:$0xE800] =	vst v63  }
0xc3: {  	_ =	swait.ge [sflag:s15], $0x1000  }
0xc4: {  	[sflag:s15] =	ssyncset.done $0x0  }
0xc5: {  	[sflag:s15] =	ssyncadd.s32 $0xFFFFF000  }
0xc6: {  	_ =	swait.ge [sflag:s15], $0x1000  }
0xc7: {  	[sflag:s15] =	ssyncset.done $0x0  }
0xc8: {  	[sflag:s15] =	ssyncadd.s32 $0xFFFFF000  }
0xc9: {  	_ =	swait.ge [sflag:s15], $0x1000  }
0xca: {  	[sflag:s15] =	ssyncset.done $0x0  }
0xcb: {  	[sflag:s15] =	ssyncadd.s32 $0xFFFFF000  }
0xcc: {  	_ =	swait.ge [sflag:s15], $0x1000  }
0xcd: {  	[sflag:s15] =	ssyncset.done $0x0  }
0xce: {  	s26 =	sadd.s32 $0x3400, s23;
	[sflag:s15] =	ssyncadd.s32 $0xFFFFF000  }
0xcf: {  	[hbm4b:s4+s10] =	stream.indirect.scatter [tilespmem:s11], [sflag:$0x2], $0x20, s26, s10, $0xb8;
	[tilespmem:$0xE800] =	vst v63  }
0xd0: {  	s28 =	sadd.s32 $0x3480, s23  }
0xd1: {  	[hbm4b:s4+s10] =	stream.indirect.scatter [tilespmem:s12], [sflag:$0x2], $0x20, s28, s10, $0xb8;
	[tilespmem:$0xE800] =	vst v63  }
0xd2: {  	s29 =	sadd.s32 $0x3500, s23  }
0xd3: {  	[hbm4b:s4+s10] =	stream.indirect.scatter [tilespmem:s13], [sflag:$0x2], $0x20, s29, s10, $0xb8;
	[tilespmem:$0xE800] =	vst v63  }
0xd4: {  	s30 =	sadd.s32 $0x3580, s23;
	s25 =	simm.s32 @!p0 $0x3  }
0xd5: {  	[hbm4b:s4+s10] =	stream.indirect.scatter [tilespmem:s14], [sflag:$0x2], $0x20, s30, s10, $0xb8;
	[tilespmem:$0xE800] =	vst v63  }
0xd6: {  	_ =	swait.ge @!p0 [sflag:s25], $0x1000  }
0xd7: {  	[sflag:s25] =	ssyncset.done @!p0 $0x0  }
0xd8: {  	[sflag:s25] =	ssyncadd.s32 @!p0 $0xFFFFF000  }
0xd9: {  	_ =	swait.ge @!p0 [sflag:s25], $0x1000  }
0xda: {  	[sflag:s25] =	ssyncset.done @!p0 $0x0  }
0xdb: {  	[sflag:s25] =	ssyncadd.s32 @!p0 $0xFFFFF000  }
0xdc: {  	_ =	swait.ge @!p0 [sflag:s25], $0x1000  }
0xdd: {  	[sflag:s25] =	ssyncset.done @!p0 $0x0  }
0xde: {  	[sflag:s25] =	ssyncadd.s32 @!p0 $0xFFFFF000  }
0xdf: {  	_ =	swait.ge @!p0 [sflag:s25], $0x1000  }
0xe0: {  	[sflag:s25] =	ssyncset.done @!p0 $0x0  }
0xe1: {  	s31 =	sadd.s32 $0x200, s23;
	[sflag:s25] =	ssyncadd.s32 @!p0 $0xFFFFF000  }
0xe2: {  	[tilespmem:s16], [sflag:$0x1] =	stream.indirect.gather [hbm4b:s3+s10], $0x20, s31, s10, $0xb8;
	[tilespmem:$0xE800] =	vst v63  }
0xe3: {  	s25 =	sadd.s32 $0x280, s23  }
0xe4: {  	[tilespmem:s17], [sflag:$0x1] =	stream.indirect.gather [hbm4b:s3+s10], $0x20, s25, s10, $0xb8;
	[tilespmem:$0xE800] =	vst v63  }
0xe5: {  	s26 =	sadd.s32 $0x300, s23  }
0xe6: {  	[tilespmem:s18], [sflag:$0x1] =	stream.indirect.gather [hbm4b:s3+s10], $0x20, s26, s10, $0xb8;
	[tilespmem:$0xE800] =	vst v63  }
0xe7: {  	s28 =	sadd.s32 $0x380, s23  }
0xe8: {  	[tilespmem:s19], [sflag:$0x1] =	stream.indirect.gather [hbm4b:s3+s10], $0x20, s28, s10, $0xb8;
	[tilespmem:$0xE800] =	vst v63  }
0xe9: {  	_ =	swait.ge [sflag:s15], $0x1000  }
0xea: {  	[sflag:s15] =	ssyncset.done $0x0  }
0xeb: {  	[sflag:s15] =	ssyncadd.s32 $0xFFFFF000  }
0xec: {  	_ =	swait.ge [sflag:s15], $0x1000  }
0xed: {  	[sflag:s15] =	ssyncset.done $0x0  }
0xee: {  	[sflag:s15] =	ssyncadd.s32 $0xFFFFF000  }
0xef: {  	_ =	swait.ge [sflag:s15], $0x1000  }
0xf0: {  	[sflag:s15] =	ssyncset.done $0x0  }
0xf1: {  	[sflag:s15] =	ssyncadd.s32 $0xFFFFF000  }
0xf2: {  	_ =	swait.ge [sflag:s15], $0x1000  }
0xf3: {  	[sflag:s15] =	ssyncset.done $0x0  }
0xf4: {  	s29 =	sadd.s32 $0x3600, s23;
	[sflag:s15] =	ssyncadd.s32 $0xFFFFF000  }
0xf5: {  	[hbm4b:s4+s10] =	stream.indirect.scatter [tilespmem:s16], [sflag:$0x3], $0x20, s29, s10, $0xb8;
	[tilespmem:$0xE800] =	vst v63  }
0xf6: {  	s30 =	sadd.s32 $0x3680, s23  }
0xf7: {  	[hbm4b:s4+s10] =	stream.indirect.scatter [tilespmem:s17], [sflag:$0x3], $0x20, s30, s10, $0xb8;
	[tilespmem:$0xE800] =	vst v63  }
0xf8: {  	s31 =	sadd.s32 $0x3700, s23  }
0xf9: {  	[hbm4b:s4+s10] =	stream.indirect.scatter [tilespmem:s18], [sflag:$0x3], $0x20, s31, s10, $0xb8;
	[tilespmem:$0xE800] =	vst v63  }
0xfa: {  	s23 =	sadd.s32 $0x3780, s23  }
0xfb: {  	[hbm4b:s4+s10] =	stream.indirect.scatter [tilespmem:s19], [sflag:$0x3], $0x20, s23, s10, $0xb8;
	[tilespmem:$0xE800] =	vst v63  }
0xfc: {  	_ =	swait.ge [sflag:s20], $0x1000  }
0xfd: {  	[sflag:s20] =	ssyncset.done $0x0  }
0xfe: {  	[sflag:s20] =	ssyncadd.s32 $0xFFFFF000  }
0xff: {  	_ =	swait.ge [sflag:s20], $0x1000  }
0x100: {  	[sflag:s20] =	ssyncset.done $0x0  }
0x101: {  	[sflag:s20] =	ssyncadd.s32 $0xFFFFF000  }
0x102: {  	_ =	swait.ge [sflag:s20], $0x1000  }
0x103: {  	[sflag:s20] =	ssyncset.done $0x0  }
0x104: {  	[sflag:s20] =	ssyncadd.s32 $0xFFFFF000  }
0x105: {  	_ =	swait.ge [sflag:s20], $0x1000  }
0x106: {  	[sflag:s20] =	ssyncset.done $0x0  }
0x107: {  	[sflag:s20] =	ssyncadd.s32 $0xFFFFF000  }
0x108: {  	_ =	swait.ge [sflag:s21], $0x1000  }
0x109: {  	[sflag:s21] =	ssyncset.done $0x0  }
0x10a: {  	[sflag:s21] =	ssyncadd.s32 $0xFFFFF000  }
0x10b: {  	_ =	swait.ge [sflag:s21], $0x1000  }
0x10c: {  	[sflag:s21] =	ssyncset.done $0x0  }
0x10d: {  	s22 =	sadd.s32 $0x1, s22;
	[sflag:s21] =	ssyncadd.s32 $0xFFFFF000  }
0x10e: {  	p0 =	sne.s32 s22, s7;
	_ =	swait.ge [sflag:s21], $0x1000  }
.Ltmp1:
0x10f: {  	[sflag:s21] =	ssyncset.done $0x0;
	(pc) =	sbr.rel @p0 .LBB2_1-.Ltmp1, $4  }
0x110: {  	[sflag:s21] =	ssyncadd.s32 $0xFFFFF000  }
0x111: {  	_ =	swait.ge [sflag:s21], $0x1000  }
0x112: {  	[sflag:s21] =	ssyncset.done $0x0  }
0x113: {  	[sflag:s21] =	ssyncadd.s32 $0xFFFFF000  }
0x114: {  	_ =	sfence.sel $0x180000  }
0x115: {  	[bflag:$0x0] =	sbarrier.arrive $0xFFFF  }
0x116: {  	p0 =	sne.s32 s0, $0x0;
	_ =	strace $0x90000047  }
0x117: {  	s0 =	sadd.s32 @!p0 $0x100000, s1;
	[bflag:$0x2] =	sbarrier.arrive $0xFFFF  }
0x118: {  	[sflag:s0] =	ssyncadd.tile.s32 @!p0 $0x1;
	_ =	shalt  }
.Lfunc_end2:
_tile_overlayer_lowered:
.L_overlay_start_2:
0x119: {  	(tag) =	ssettag $0x2  }
0x11a: {  	s0 =	rddreg [dreg:$0x0];
	s2 =	stileid.u32  }
0x11b: {  	s1 =	rddreg [dreg:$0x1];
	p0 =	sne.s32 s2, $0x0  }
0x11c: {  	s3 =	rddreg [dreg:$0x2];
	[bflag:$0x3] =	sbarrier.arrive $0xFFFF;
	s2 =	simm.s32 @!p0 $0x1C04  }
0x11d: {  	[timem:s3], [sflag:s2] =	dma.local @!p0 [hbm:s0], s1  }
0x11e: {  	s0 =	simm.s32 @!p0 $0x4  }
0x11f: {  	_ =	swait.ge @!p0 [sflag:s0], s1  }
0x120: {  	s1 =	ssub.s32 @!p0 $0x0, s1;
	[sflag:s0] =	ssyncset.done @!p0 $0x0  }
0x121: {  	[sflag:s0] =	ssyncadd.s32 @!p0 s1  }
0x122: {  	[bflag:$0x3] =	sbarrier.arrive $0xFFFF  }
0x123: {  	_ =	shalt  }

// kernel: sparse-core-data-format-call.cloned.1.call-start
scs
called_computation_lowered:
.L_overlay_start_0:
0x0: {  	s2 =	sld [smem:$0x3FD9]  }
0x1: {  	s3 =	sld [smem:$0x3FFE];
	_ =	sdelay $0x1  }
0x2: {  	s1 =	srdreg.scid  }
0x3: {  	s0 =	sand.u32 $0x1, s1  }
0x4: {  	s18 =	sshll.u32 s0, $0xA;
	s2 =	sadd.s32 s3, s2  }
0x5: {  	s2 =	sadd.s32 s2, s18  }
0x6: {  	[smem:$0x3FC6] =	sst s2  }
0x7: {  	_ = 	snop  }
0x8: {  	s2 =	sld [smem:$0x3FD0];
	(tm) =	ssettm $0x1  }
0x9: {  	s19 =	sld [smem:$0x3FFB];
	_ =	sdelay $0x3  }
0xa: {  	_ =	strace s19  }
0xb: {  	s3 =	sld [smem:$0x3FFC];
	_ =	sdelay $0x3  }
0xc: {  	_ =	strace s3  }
0xd: {  	s3 =	sld [smem:$0x3FFD];
	_ =	sdelay $0x3  }
0xe: {  	_ =	strace s3  }
0xf: {  	_ =	strace $0x8FFFFFFF  }
0x10: {  	s20 =	sld [smem:$0x3FDB];
	_ =	sdelay $0x1  }
0x11: {  	s4 =	simm.s32 $_scs_section_size  }
0x12: {  	s5 =	simm.s32 $_size__tile_overlayer_lowered;
	s6 =	simm.s32 $_tile_overlayer_lowered  }
0x13: {  	s23 =	simm.s32 $0x1BFF;
	s22 =	sshll.u32 s6, $0x1;
	s3 =	sadd.s32 s4, s20  }
0x14: {  	s7 =	simm.s32 $0x0;
	s21 =	sshll.u32 s5, $0x1;
	s5 =	sadd.s32 s22, s3  }
0x15: {  	[timem:s7], [sflag:s23] =	dma.local [hbm:s5], s21  }
0x16: {  	_ =	swait.ge [sflag:s23], s21  }
0x17: {  	s4 =	ssub.s32 $0x0, s21;
	[sflag:s23] =	ssyncset.done $0x0  }
0x18: {  	[sflag:s23] =	ssyncadd.s32 s4;
	_ =	sdelay $0x1  }
0x19: {  	s24 =	simm.s32 $0x1B8B  }
0x1a: {  	_ =	swait.ge [sflag:s24], $0x1  }
0x1b: {  	[sflag:s24] =	ssyncset.done $0x0  }
0x1c: {  	s26 =	simm.s32 $0x1B8E;
	s25 =	sld [smem:$0x3FFE];
	[sflag:s24] =	ssyncadd.s32 $0xFFFFFFFF  }
0x1d: {  	s27 =	simm.s32 $execute0_lowered;
	[smem:$0x3FD2] =	sst s26  }
0x1e: {  	s5 =	sshll.u32 s27, $0x1;
	_ =	strace $0x80000049;
	[dreg:$0x1] =	wrdreg $0xFFFFFFFF  }
0x1f: {  	s28 =	simm.s32 $_size_execute0_lowered;
	s3 =	sadd.s32 s3, s5;
	[dreg:$0x0] =	wrdreg $0x0  }
0x20: {  	s5 =	sshll.u32 s28, $0x1;
	[dreg:$0x2] =	wrdreg s3  }
0x21: {  	[dreg:$0x3] =	wrdreg s5  }
0x22: {  	[dreg:$0x4] =	wrdreg $0xC0  }
0x23: {  	_ =	task [dreg:s7], $0x5FFFF  }
0x24: {  	[dreg:$0x1] =	wrdreg $0xFFFFFFFF  }
0x25: {  	[dreg:$0x0] =	wrdreg $0x60  }
0x26: {  	[dreg:$0x2] =	wrdreg s25  }
0x27: {  	[dreg:$0x3] =	wrdreg s2  }
0x28: {  	[dreg:$0x4] =	wrdreg $0x9  }
0x29: {  	_ =	task.clear_ibuf [dreg:s7], $0x5FFFF;
	_ =	strace $0x90000049  }
0x2a: {  	s29 =	simm.s32 $0x9;
	_ =	strace $0x8000004B  }
0x2b: {  	_ =	swait.ge [sflag:s29], $0x1  }
0x2c: {  	[sflag:s29] =	ssyncadd.s32 $0xFFFFFFFF  }
0x2d: {  	_ =	strace $0x9000004B  }
0x2e: {  	_ =	sfence  }
0x2f: {  	s30 =	sld [smem:$0x0];
	_ =	sdelay $0x2  }
0x30: {  	s31 =	sshll.u32 s1, $0xD;
	s1 =	sshrl.u32 s1, $0x2  }
0x31: {  	s3 =	sand.u32 $0x4000, s31;
	s1 =	sadd.s32 s1, s30  }
0x32: {  	s0 =	sor.u32 s3, s0;
	s1 =	sshll.u32 s1, $0x11  }
0x33: {  	s0 =	sor.u32 s1, s0  }
0x34: {  	s0 =	sadd.s32 $0x8F2B, s0  }
0x35: {  	[sflag:s0] =	ssyncadd.remote.s32 $0x1  }
0x36: {  	_ =	sfence.sel $0xFFFF  }
0x37: {  	[dreg:$0x0] =	wrdreg $0xFFFFFFFF;
	(pc) =	sbr.abs _section_cstart, $3  }
0x38: {  	[dreg:$0x1] =	wrdreg $0xFFFFFFFF  }
0x39: {  	_ =	task.clear_ibuf [dreg:s7], $0x2FFFF;
	_ =	strace $0x9FFFFFFF  }
0x3a: {  	(tm) =	ssettm $0x7FFFFFFF  }
0x3b: {  	_ =	shalt  }
tec
execute0_lowered:
.L_overlay_start_1:
0x0: {  	(tag) =	ssettag $0x1  }
0x1: {  	s0 =	srdreg.scid  }
0x2: {  	s1 =	sshll.u32 s0, $0x4  }
0x3: {  	s0 =	stileid.u32;
	s1 =	sand.u32 $0x10, s1  }
0x4: {  	s1 =	sor.u32 s0, s1  }
0x5: {  	s6 =	rddreg [dreg:$0x0];
	s4 =	simm.s32 $0x1;
	s2 =	sshll.u32 s1, $0x7  }
0x6: {  	s7 =	simm.s32 $0x2;
	s12 =	simm.s32 $0x0;
	s1 =	ssub.s32 $0x4000, s2  }
0x7: {  	s8 =	simm.s32 $0x20000;
	s13 =	simm.s32 $0x0;
	s3 =	sand.u32 $0xF80, s1  }
0x8: {  	s9 =	simm.s32 $0x0;
	s5 =	sshrl.u32 s1, $0xC;
	p0 =	sne.s32 s3, $0x0  }
.Ltmp0:
0x9: {  	s1 =	rddreg [dreg:$0x2];
	s4 =	simm.s32 @!p0 $0x0;
	(pc) =	sbr.rel .LBB1_1-.Ltmp0, $4  }
0xa: {  	s11 =	simm.s32 $0x0;
	s3 =	rddreg [dreg:$0x1];
	s5 =	sadd.s32 s4, s5  }
0xb: {  	_ =	strace $0x8000004A;
	s4 =	simm.s32 $0x1;
	s5 =	smul.u32 $0x1A, s5  }
0xc: {  	s6 =	sadd.s32 $0x3FDA00, s6;
	s10 =	smov.u32 s2;
	[sflag:s4] =	ssyncpa.u1 $0x0  }
0xd: {  	p0 =	por $0x0, $0x0;
	[sflag:s7] =	ssyncpa.u1 $0x0;
	s7 =	sor.u32 $0x1, s5  }
.LBB1_4:
0xe: {  	s16 =	sshll.u32 s13, $0x3;
	s17 =	sand.u32 $0x78, s13  }
0xf: {  	s30 =	sand.u32 $0xF800, s13;
	s12 =	sshll.u32 s12, $0x10;
	s16 =	sand.u32 $0x3C00, s16  }
0x10: {  	s31 =	sand.u32 $0x7, s13;
	s16 =	sor.u32 s17, s16;
	s17 =	sadd.s32 s3, s30  }
0x11: {  	s13 =	sshll.u32 s31, $0x12;
	s16 =	sshrl.u32 s16, $0x3;
	s12 =	sadd.s32 s12, s17  }
0x12: {  	[tilespmem:s15+$0x0 ss:$0x81] =	vst.msk $0xffff, v0;
	s13 =	sor.u32 $0x400, s13;
	s12 =	sadd.s32 s16, s12  }
0x13: {  	[hbm4b:s12+s13] =	stream.strided.scatter [tilespmem:s14], [sflag:$0x2], $0x1000, s8, s13, $0x20;
	[tilespmem:$0x4040] =	vst v63  }
.LBB1_5:
0x14: {  	s14 =	sadd.s32 $0x1, s9  }
0x15: {  	s12 =	sadd.s32 $0x1000, s10;
	s16 =	smov.u32 s10;
	p2 =	sgt.s32 s14, $0x19  }
0x16: {  	s16 =	smov.u32 @p2 s12  }
0x17: {  	s14 =	simm.s32 @p2 $0x0;
	p2 =	sgt.s32 s16, $0x3FFF  }
0x18: {  	s16 =	smov.u32 @p2 s2;
	p2 =	sne.s32 s11, s7  }
.Ltmp1:
0x19: {  	p1 =	slt.u32 s11, $0x2;
	(pc) =	sbr.rel @!p2 .LBB1_6-.Ltmp1, $4  }
0x1a: {  	s15 =	simm.s32 @!p1 $0x2  }
0x1b: {  	s13 =	smov.u32 s10;
	p0 =	por !p0, !p0;
	_ =	swait.ge @!p1 [sflag:s15], $0x1000  }
0x1c: {  	s12 =	smov.u32 s9;
	[sflag:s15] =	ssyncset.done @!p1 $0x0;
	s9 =	smov.u32 s14  }
0x1d: {  	s11 =	sadd.s32 $0x1, s11;
	[sflag:s15] =	ssyncadd.s32 @!p1 $0xFFFFF000;
	s10 =	smov.u32 s16  }
.LBB1_1:
0x1e: {  	p1 =	sge.u32 s11, s5  }
0x1f: {  	s31 =	sadd.s32 $0xFFFFFFFF, s11;
	s14 =	sxor.u32 @!p1 $0xFFFFFFFF, s11  }
0x20: {  	s15 =	sshll.u32 @!p1 s10, $0x9;
	s16 =	sshll.u32 @!p1 s9, $0x4;
	s17 =	simm.s32 @!p1 $0x1000  }
0x21: {  	s14 =	sshll.u32 @!p1 s14, $0xC;
	s16 =	sand.u32 @!p1 $0x1F0, s16;
	s15 =	sadd.s32 @!p1 s6, s15  }
0x22: {  	s14 =	sand.u32 @!p1 $0x1000, s14;
	s15 =	sadd.s32 @!p1 s16, s15;
	s16 =	simm.s32 @!p1 $0x20  }
0x23: {  	[tilespmem:s14], [sflag:$0x1] =	stream.strided.gather @!p1 [hbm4b:s15+s16], $0x1000, s17, s16, $0x38;
	[tilespmem:$0x4040] =	vst v63  }
0x24: {  	p1 =	sge.u32 s31, s5  }
.Ltmp2:
0x25: {  	_ = 	snop;
	(pc) =	sbr.rel @p1 .LBB1_5-.Ltmp2, $1  }
0x26: {  	_ =	sdelay $0x3  }
0x27: {  	s14 =	simm.s32 $0x1  }
0x28: {  	_ =	swait.ge [sflag:s4], $0x1000;
	s14 =	simm.s32 @!p0 $0x0  }
0x29: {  	[sflag:s4] =	ssyncset.done $0x0;
	s15 =	sshll.u32 s14, $0xC  }
0x2a: {  	[sflag:s4] =	ssyncadd.s32 $0xFFFFF000;
	s18 =	sor.u32 $0x10, s15  }
0x2b: {  	s14 =	smul.u32 $0x4080, s14;
	v1 =	vld [tilespmem:s18+$0x0]  }
0x2c: {  	s30 =	sand.u32 $0x1, s11;
	v0 =	vld [tilespmem:s18+$0xFFFFFFF0]  }
0x2d: {  	s15 =	smul.u32 $0x4080, s30;
	s14 =	sshrl.u32 s14, $0x2  }
0x2e: {  	s16 =	sor.u32 $0x2000, s14  }
0x2f: {  	s31 =	sshrl.u32 s15, $0x2;
	s15 =	sadd.s32 $0x0, s16  }
0x30: {  	s17 =	simm.s32 $0x4;
	s18 =	sadd.s32 $0x20, s18;
	s14 =	sor.u32 $0x2000, s31;
	[tilespmem:s15+$0x810 ss:$0x81] =	vst.msk $0xffff, v1  }
.LBB1_3:
0x31: {  	v1 =	vld [tilespmem:s18+$0x0];
	p1 =	sne.s32 s17, $0x1FC;
	[tilespmem:s15+$0x0 ss:$0x81] =	vst.msk $0xffff, v0;
	s15 =	smov.u32 s17;
	s17 =	sadd.s32 $0x4, s17  }
.Ltmp3:
0x32: {  	v0 =	vld [tilespmem:s18+$0xFFFFFFF0];
	(pc) =	sbr.rel @p1 .LBB1_3-.Ltmp3, $4  }
0x33: {  	_ = 	snop  }
0x34: {  	s15 =	sshra.s32 s15, $0x2  }
0x35: {  	s15 =	sadd.s32 s15, s16  }
0x36: {  	s18 =	sadd.s32 $0x20, s18;
	[tilespmem:s15+$0x810 ss:$0x81] =	vst.msk $0xffff, v1  }
.Ltmp4:
0x37: {  	_ = 	snop;
	(pc) =	sbr.rel .LBB1_4-.Ltmp4, $1  }
0x38: {  	_ =	sdelay $0x3  }
.LBB1_6:
0x39: {  	_ =	sfence.sel $0x180000  }
0x3a: {  	s2 =	simm.s32 $0x1;
	[bflag:$0x0] =	sbarrier.arrive $0xFFFF  }
0x3b: {  	s31 =	simm.s32 $0x2;
	[sflag:s2] =	ssyncpa.u1 $0x1  }
0x3c: {  	[sflag:s31] =	ssyncpa.u1 $0x1  }
0x3d: {  	p0 =	sne.s32 s0, $0x0;
	_ =	strace $0x9000004A  }
0x3e: {  	s0 =	sadd.s32 @!p0 $0x100000, s1;
	[bflag:$0x2] =	sbarrier.arrive $0xFFFF  }
0x3f: {  	[sflag:s0] =	ssyncadd.tile.s32 @!p0 $0x1;
	_ =	shalt  }
.Lfunc_end1:
_tile_overlayer_lowered:
.L_overlay_start_2:
0x40: {  	(tag) =	ssettag $0x2  }
0x41: {  	s0 =	rddreg [dreg:$0x0];
	s2 =	stileid.u32  }
0x42: {  	s1 =	rddreg [dreg:$0x1];
	p0 =	sne.s32 s2, $0x0  }
0x43: {  	s3 =	rddreg [dreg:$0x2];
	[bflag:$0x3] =	sbarrier.arrive $0xFFFF;
	s2 =	simm.s32 @!p0 $0x1C01  }
0x44: {  	[timem:s3], [sflag:s2] =	dma.local @!p0 [hbm:s0], s1  }
0x45: {  	s0 =	simm.s32 @!p0 $0x1  }
0x46: {  	_ =	swait.ge @!p0 [sflag:s0], s1  }
0x47: {  	s1 =	ssub.s32 @!p0 $0x0, s1;
	[sflag:s0] =	ssyncset.done @!p0 $0x0  }
0x48: {  	[sflag:s0] =	ssyncadd.s32 @!p0 s1  }
0x49: {  	[bflag:$0x3] =	sbarrier.arrive $0xFFFF  }
0x4a: {  	_ =	shalt  }

</sc_bundles>
